<compile_context>
chip_gen: v7x
topology: tpu7x:2x2x1
jax: 0.10.2.dev20260603
libtpu: 0.0.44.dev20260713+nightly
codegen_flags: <defaults>
</compile_context>

<pallas_src>
import functools

import jax
import jax.numpy as jnp
from jax import lax
from jax.experimental import pallas as pl
from jax.experimental.pallas import tpu as pltpu
from jax.experimental.pallas import tpu_sc as plsc

N, D = 16384, 512
H, C = 128, 32
K = 1024
BN = 512
NB = N // BN
EPS = 1e-5
INV_N = 1.0 / N

NW = 32
RPW = N // NW
CHUNK = 128
NCH = RPW // CHUNK


def _mm(a, b):
    return jnp.dot(a.astype(jnp.bfloat16), b.astype(jnp.bfloat16),
                   preferred_element_type=jnp.float32)



def _enc_body(X_ref, W1_ref, b1_ref, g1_ref, be1_ref, W2_ref, b2_ref,
              dW1_ref, db1_ref, cb_ref, cbT_ref, b2row_ref,
              topics_ref, zl_ref, M_ref,
              h1_scr, s1, v1):
    p = pl.program_id(0)
    b = pl.program_id(1)
    rows = pl.ds(b * BN, BN)

    @pl.when(p == 0)
    def _p0():
        h = _mm(X_ref[...], W1_ref[...]) + b1_ref[...]
        h1_scr[rows, :] = h
        blk = jnp.sum(h, axis=0, keepdims=True)

        @pl.when(b == 0)
        def _():
            s1[...] = blk
            M_ref[...] = _mm(cb_ref[...], dW1_ref[...]) + db1_ref[...]

        @pl.when(b != 0)
        def _():
            s1[...] += blk

    @pl.when(p == 1)
    def _p1():
        mu = s1[...] * INV_N
        d = h1_scr[rows, :] - mu
        blk = jnp.sum(d * d, axis=0, keepdims=True)

        @pl.when(b == 0)
        def _():
            v1[...] = blk

        @pl.when(b != 0)
        def _():
            v1[...] += blk

    @pl.when(p == 2)
    def _p2():
        mu = s1[...] * INV_N
        sd = jnp.sqrt(v1[...] * INV_N + EPS)
        t = (h1_scr[rows, :] - mu) / sd * g1_ref[...] + be1_ref[...]
        r = jnp.maximum(t, 0.0)
        z = _mm(r, W2_ref[...]) + b2_ref[...]
        a2 = jnp.sum(z * z, axis=1, keepdims=True)
        ab = _mm(z, cbT_ref[...])
        dist = (a2 - 2.0 * ab) + b2row_ref[...]
        mn = jnp.min(dist, axis=1, keepdims=True)
        iota = lax.broadcasted_iota(jnp.int32, (BN, K), 1)
        am = jnp.min(jnp.where(dist == mn, iota, K), axis=1, keepdims=True)
        topics_ref[rows, :] = am
        blk_zl = jnp.sum(mn, axis=0, keepdims=True)

        @pl.when(b == 0)
        def _():
            zl_ref[...] = blk_zl

        @pl.when(b != 0)
        def _():
            zl_ref[...] += blk_zl


def _x_once(phase):
    def f(p, b):
        return (lax.select(p == phase, b, 0), 0)
    return f


def _const(p, b):
    return (0, 0)



_sc_mesh = plsc.VectorSubcoreMesh(core_axis_name="c", subcore_axis_name="s")


@functools.partial(
    pl.kernel, mesh=_sc_mesh,
    out_type=jax.ShapeDtypeStruct((N, H), jnp.float32),
    scratch_types=[
        pltpu.VMEM((NCH, CHUNK), jnp.int32),
        pltpu.VMEM((RPW, H), jnp.float32),
        pltpu.SemaphoreType.DMA,
        pltpu.SemaphoreType.DMA,
    ],
)
def _sc_gather(M_hbm, topics_hbm, out_hbm, idx_v, rows_v, sem, semw):
    wid = lax.axis_index("s") * 2 + lax.axis_index("c")
    base = wid * RPW
    for j in range(NCH):
        pltpu.sync_copy(topics_hbm.at[pl.ds(base + j * CHUNK, CHUNK)],
                        idx_v.at[j])
    gathers = [
        pltpu.async_copy(M_hbm.at[idx_v.at[j]],
                         rows_v.at[pl.ds(j * CHUNK, CHUNK)], sem)
        for j in range(NCH)
    ]
    writes = []
    for j in range(NCH):
        gathers[j].wait()
        writes.append(
            pltpu.async_copy(rows_v.at[pl.ds(j * CHUNK, CHUNK)],
                             out_hbm.at[pl.ds(base + j * CHUNK, CHUNK)],
                             semw))
    for wr in writes:
        wr.wait()



def _dec_body(h2_ref, X_ref, dg1_ref, dbe1_ref, dW2_ref, db2_ref, zl_ref,
              loss_ref, h2_scr, s2, v2, se):
    q = pl.program_id(0)
    b = pl.program_id(1)
    rows = pl.ds(b * BN, BN)

    @pl.when(q == 0)
    def _q0():
        h = h2_ref[...]
        h2_scr[rows, :] = h
        blk = jnp.sum(h, axis=0, keepdims=True)

        @pl.when(b == 0)
        def _():
            s2[...] = blk

        @pl.when(b != 0)
        def _():
            s2[...] += blk

    @pl.when(q == 1)
    def _q1():
        mu = s2[...] * INV_N
        d = h2_scr[rows, :] - mu
        blk = jnp.sum(d * d, axis=0, keepdims=True)

        @pl.when(b == 0)
        def _():
            v2[...] = blk

        @pl.when(b != 0)
        def _():
            v2[...] += blk

    @pl.when(q == 2)
    def _q2():
        mu = s2[...] * INV_N
        sd = jnp.sqrt(v2[...] * INV_N + EPS)
        t = (h2_scr[rows, :] - mu) / sd * dg1_ref[...] + dbe1_ref[...]
        r = jnp.maximum(t, 0.0)
        xr = _mm(r, dW2_ref[...]) + db2_ref[...]
        d = xr - X_ref[...]
        blk = jnp.sum(jnp.sum(d * d, axis=1, keepdims=True), axis=0,
                      keepdims=True)

        @pl.when(b == 0)
        def _():
            se[...] = blk

        @pl.when(b != 0)
        def _():
            se[...] += blk

        @pl.when(b == NB - 1)
        def _():
            loss_ref[...] = (zl_ref[...] + zl_ref[...]) + jnp.sqrt(se[...])


def kernel(X, enc_W1, enc_b1, enc_g1, enc_be1, enc_W2, enc_b2,
           dec_W1, dec_b1, dec_g1, dec_be1, dec_W2, dec_b2, codebook):
    f32 = jnp.float32
    b2row = jnp.sum(codebook * codebook, axis=1).reshape(1, K)
    cbT = codebook.T
    row = lambda v: v.reshape(1, -1)

    topics2d, zl, M = pl.pallas_call(
        _enc_body,
        grid=(3, NB),
        in_specs=[
            pl.BlockSpec((BN, D), _x_once(0)),
            pl.BlockSpec((D, H), _const),
            pl.BlockSpec((1, H), _const),
            pl.BlockSpec((1, H), _const),
            pl.BlockSpec((1, H), _const),
            pl.BlockSpec((H, C), _const),
            pl.BlockSpec((1, C), _const),
            pl.BlockSpec((C, H), _const),
            pl.BlockSpec((1, H), _const),
            pl.BlockSpec((K, C), _const),
            pl.BlockSpec((C, K), _const),
            pl.BlockSpec((1, K), _const),
        ],
        out_specs=[
            pl.BlockSpec((N, 1), _const),
            pl.BlockSpec((1, 1), _const),
            pl.BlockSpec((K, H), _const),
        ],
        out_shape=[
            jax.ShapeDtypeStruct((N, 1), jnp.int32),
            jax.ShapeDtypeStruct((1, 1), f32),
            jax.ShapeDtypeStruct((K, H), f32),
        ],
        scratch_shapes=[
            pltpu.VMEM((N, H), f32),
            pltpu.VMEM((1, H), f32),
            pltpu.VMEM((1, H), f32),
        ],
    )(X, enc_W1, row(enc_b1), row(enc_g1), row(enc_be1), enc_W2,
      row(enc_b2), dec_W1, row(dec_b1), codebook, cbT, b2row)

    h2 = _sc_gather(M, topics2d.reshape(N))

    loss2d = pl.pallas_call(
        _dec_body,
        grid=(3, NB),
        in_specs=[
            pl.BlockSpec((BN, H), _x_once(0)),
            pl.BlockSpec((BN, D), _x_once(2)),
            pl.BlockSpec((1, H), _const),
            pl.BlockSpec((1, H), _const),
            pl.BlockSpec((H, D), _const),
            pl.BlockSpec((1, D), _const),
            pl.BlockSpec((1, 1), _const),
        ],
        out_specs=pl.BlockSpec((1, 1), _const),
        out_shape=jax.ShapeDtypeStruct((1, 1), f32),
        scratch_shapes=[
            pltpu.VMEM((N, H), f32),
            pltpu.VMEM((1, H), f32),
            pltpu.VMEM((1, H), f32),
            pltpu.VMEM((1, 1), f32),
        ],
    )(h2, X, row(dec_g1), row(dec_be1), dec_W2, row(dec_b2), zl)

    return topics2d.reshape(N), loss2d[0, 0]

# --- scband reference (transcript-rebuilt; emitter-appended) ---
"""Pipeline reference for scband-vqae-49959059587395 (READ-ONLY COPY).

The authoritative reference and input builder live on the scoring server;
editing this copy changes nothing except your own understanding.
"""

import jax, jax.numpy as jnp
import numpy as np

N, D = 16384, 512
H, C = 128, 32
K = 1024


def _bn_train(h, gamma, beta, eps=1e-5):
    mu = h.mean(axis=0)
    var = ((h - mu) ** 2).mean(axis=0)  # biased variance, as torch BatchNorm1d in train mode
    return (h - mu) / jnp.sqrt(var + eps) * gamma + beta


def _encoder(X, W1, b1, g1, be1, W2, b2):
    h = X @ W1 + b1
    h = _bn_train(h, g1, be1)
    h = jax.nn.relu(h)
    return h @ W2 + b2


def _decoder(z, W1, b1, g1, be1, W2, b2):
    h = z @ W1 + b1
    h = _bn_train(h, g1, be1)
    h = jax.nn.relu(h)
    return h @ W2 + b2


def _sq_cdist(a, b):
    # ||a_i - b_j||^2, same math as (a[:,None]-b[None]).square().sum(-1)
    a2 = (a * a).sum(-1, keepdims=True)
    b2 = (b * b).sum(-1)
    return a2 - 2.0 * (a @ b.T) + b2[None, :]


def setup_inputs(seed: int = 0) -> dict:
    key = jax.random.key(seed)
    ks = jax.random.split(key, 16)
    X = jax.random.normal(ks[0], (N, D), dtype=jnp.float32)
    inp = {
        "X": X,
        "enc_W1": jax.random.normal(ks[1], (D, H), dtype=jnp.float32) * 0.02,
        "enc_b1": jnp.zeros((H,), dtype=jnp.float32),
        "enc_g1": jnp.ones((H,), dtype=jnp.float32),
        "enc_be1": jnp.zeros((H,), dtype=jnp.float32),
        "enc_W2": jax.random.normal(ks[2], (H, C), dtype=jnp.float32) * 0.02,
        "enc_b2": jnp.zeros((C,), dtype=jnp.float32),
        "dec_W1": jax.random.normal(ks[3], (C, H), dtype=jnp.float32) * 0.02,
        "dec_b1": jnp.zeros((H,), dtype=jnp.float32),
        "dec_g1": jnp.ones((H,), dtype=jnp.float32),
        "dec_be1": jnp.zeros((H,), dtype=jnp.float32),
        "dec_W2": jax.random.normal(ks[4], (H, D), dtype=jnp.float32) * 0.02,
        "dec_b2": jnp.zeros((D,), dtype=jnp.float32),
        "codebook": jax.random.normal(ks[5], (K, C), dtype=jnp.float32) * 0.02,
    }
    return inp


def reference(X, enc_W1, enc_b1, enc_g1, enc_be1, enc_W2, enc_b2,
              dec_W1, dec_b1, dec_g1, dec_be1, dec_W2, dec_b2, codebook):
    # z = encoder(X)
    z = _encoder(X, enc_W1, enc_b1, enc_g1, enc_be1, enc_W2, enc_b2)

    # _quantize(z, z_grad=True, return_loss=True)
    cdist_z = _sq_cdist(z, codebook)
    topics = jnp.argmin(cdist_z, axis=-1)
    z_loss = jnp.take_along_axis(cdist_z, topics[:, None], axis=1)[:, 0].sum()

    # _quantize(z, c_grad=True, return_loss=True)
    cdist_c = _sq_cdist(z, codebook)
    topics_c = jnp.argmin(cdist_c, axis=-1)
    c_loss = jnp.take_along_axis(cdist_c, topics_c[:, None], axis=1)[:, 0].sum()

    # X_ = decoder(codebook[topics])
    q = jnp.take(codebook, topics, axis=0)
    X_ = _decoder(q, dec_W1, dec_b1, dec_g1, dec_be1, dec_W2, dec_b2)

    loss = z_loss + c_loss + jnp.sqrt(((X_ - X) ** 2).sum())
    return topics, loss

if __name__ == "__main__":
    import jax
    _d = setup_inputs()
    print(jax.jit(kernel)(*tuple(_d.values())))

</pallas_src>

<mosaic_0001>
#map = affine_map<(d0, d1) -> (0, 0)>
#map1 = affine_map<(d0, d1) -> (0)>
module attributes {stable_mosaic.version = 14 : i64} {
  func.func @_sc_gather(%arg0: i32, %arg1: i32, %arg2: memref<1024x128xf32, #tpu.memory_space<hbm>>, %arg3: memref<16384xi32, #tpu.memory_space<hbm>>, %arg4: memref<16384x128xf32, #tpu.memory_space<hbm>>, %arg5: memref<4x128xi32, #tpu.memory_space<vmem>>, %arg6: memref<512x128xf32, #tpu.memory_space<vmem>>, %arg7: memref<!tpu.dma_semaphore, #tpu.memory_space<semaphore_mem>>, %arg8: memref<!tpu.dma_semaphore, #tpu.memory_space<semaphore_mem>>) attributes {dimension_semantics = [#tpu.dimension_semantics<core_parallel>, #tpu.dimension_semantics<subcore_parallel>], iteration_bounds = array<i64: 2, 16>, scalar_prefetch = 0 : i64, scratch_operands = 4 : i64, tpu.core_type = #tpu.core_type<sc_vector_subcore>, window_params = [{transform_indices = #map}, {transform_indices = #map1}, {transform_indices = #map}]} {
    %mul3A = arith.constant 2 : i32
    %mul3A_0 = arith.muli %arg1, %mul3A : i32
    %add3A = arith.addi %mul3A_0, %arg0 : i32
    %mul3A_1 = arith.constant 512 : i32
    %mul3A_2 = arith.muli %add3A, %mul3A_1 : i32
    %add3A_3 = arith.constant 0 : i32
    %add3A_4 = arith.addi %mul3A_2, %add3A_3 : i32
    %run_scoped3A = arith.constant 0 : i32
    "tpu.region"() ({
      %run_scoped3A_180 = tpu.sem_alloc : memref<!tpu.dma_semaphore, #tpu.memory_space<semaphore_mem>>
      %dma_start3A_181 = arith.constant 0 : i32
      %dma_start3A_182 = tpu.memref_slice %arg5[%run_scoped3A, %dma_start3A_181] : memref<4x128xi32, #tpu.memory_space<vmem>> -> memref<1x128xi32, #tpu.memory_space<vmem>>
      %dma_start3A_183 = tpu.memref_squeeze %dma_start3A_182 : memref<1x128xi32, #tpu.memory_space<vmem>> -> memref<128xi32, #tpu.memory_space<vmem>>
      %dma_start3A_184 = tpu.memref_slice %arg3[%add3A_4] : memref<16384xi32, #tpu.memory_space<hbm>> -> memref<128xi32, #tpu.memory_space<hbm>>
      %dma_start3A_185 = arith.constant 0 : i32
      %dma_start3A_186 = tpu.memref_slice %arg5[%run_scoped3A, %dma_start3A_185] : memref<4x128xi32, #tpu.memory_space<vmem>> -> memref<1x128xi32, #tpu.memory_space<vmem>>
      %dma_start3A_187 = tpu.memref_squeeze %dma_start3A_186 : memref<1x128xi32, #tpu.memory_space<vmem>> -> memref<128xi32, #tpu.memory_space<vmem>>
      %dma_start3A_188 = tpu.memref_slice %arg3[%add3A_4] : memref<16384xi32, #tpu.memory_space<hbm>> -> memref<128xi32, #tpu.memory_space<hbm>>
      tpu.enqueue_dma source(%dma_start3A_188 : memref<128xi32, #tpu.memory_space<hbm>>) target(%dma_start3A_187 : memref<128xi32, #tpu.memory_space<vmem>>) target_semaphore(%run_scoped3A_180 : memref<!tpu.dma_semaphore, #tpu.memory_space<semaphore_mem>>)
      %dma_wait3A_189 = arith.constant 0 : i32
      %dma_wait3A_190 = tpu.memref_slice %arg5[%run_scoped3A, %dma_wait3A_189] : memref<4x128xi32, #tpu.memory_space<vmem>> -> memref<1x128xi32, #tpu.memory_space<vmem>>
      %dma_wait3A_191 = tpu.memref_squeeze %dma_wait3A_190 : memref<1x128xi32, #tpu.memory_space<vmem>> -> memref<128xi32, #tpu.memory_space<vmem>>
      %dma_wait3A_192 = tpu.memref_slice %arg3[%add3A_4] : memref<16384xi32, #tpu.memory_space<hbm>> -> memref<128xi32, #tpu.memory_space<hbm>>
      %dma_wait3A_193 = arith.constant 0 : i32
      %dma_wait3A_194 = tpu.memref_slice %arg5[%run_scoped3A, %dma_wait3A_193] : memref<4x128xi32, #tpu.memory_space<vmem>> -> memref<1x128xi32, #tpu.memory_space<vmem>>
      %dma_wait3A_195 = tpu.memref_squeeze %dma_wait3A_194 : memref<1x128xi32, #tpu.memory_space<vmem>> -> memref<128xi32, #tpu.memory_space<vmem>>
      %dma_wait3A_196 = tpu.memref_slice %arg3[%add3A_4] : memref<16384xi32, #tpu.memory_space<hbm>> -> memref<128xi32, #tpu.memory_space<hbm>>
      tpu.wait_dma2 semaphore(%run_scoped3A_180 : memref<!tpu.dma_semaphore, #tpu.memory_space<semaphore_mem>>) src(%dma_wait3A_196 : memref<128xi32, #tpu.memory_space<hbm>>) dst(%dma_wait3A_195 : memref<128xi32, #tpu.memory_space<vmem>>)
      tpu.yield
    }) : () -> ()
    %add3A_5 = arith.constant 128 : i32
    %add3A_6 = arith.addi %mul3A_2, %add3A_5 : i32
    %run_scoped3A_7 = arith.constant 1 : i32
    "tpu.region"() ({
      %run_scoped3A_180 = tpu.sem_alloc : memref<!tpu.dma_semaphore, #tpu.memory_space<semaphore_mem>>
      %dma_start3A_181 = arith.constant 0 : i32
      %dma_start3A_182 = tpu.memref_slice %arg5[%run_scoped3A_7, %dma_start3A_181] : memref<4x128xi32, #tpu.memory_space<vmem>> -> memref<1x128xi32, #tpu.memory_space<vmem>>
      %dma_start3A_183 = tpu.memref_squeeze %dma_start3A_182 : memref<1x128xi32, #tpu.memory_space<vmem>> -> memref<128xi32, #tpu.memory_space<vmem>>
      %dma_start3A_184 = tpu.memref_slice %arg3[%add3A_6] : memref<16384xi32, #tpu.memory_space<hbm>> -> memref<128xi32, #tpu.memory_space<hbm>>
      %dma_start3A_185 = arith.constant 0 : i32
      %dma_start3A_186 = tpu.memref_slice %arg5[%run_scoped3A_7, %dma_start3A_185] : memref<4x128xi32, #tpu.memory_space<vmem>> -> memref<1x128xi32, #tpu.memory_space<vmem>>
      %dma_start3A_187 = tpu.memref_squeeze %dma_start3A_186 : memref<1x128xi32, #tpu.memory_space<vmem>> -> memref<128xi32, #tpu.memory_space<vmem>>
      %dma_start3A_188 = tpu.memref_slice %arg3[%add3A_6] : memref<16384xi32, #tpu.memory_space<hbm>> -> memref<128xi32, #tpu.memory_space<hbm>>
      tpu.enqueue_dma source(%dma_start3A_188 : memref<128xi32, #tpu.memory_space<hbm>>) target(%dma_start3A_187 : memref<128xi32, #tpu.memory_space<vmem>>) target_semaphore(%run_scoped3A_180 : memref<!tpu.dma_semaphore, #tpu.memory_space<semaphore_mem>>)
      %dma_wait3A_189 = arith.constant 0 : i32
      %dma_wait3A_190 = tpu.memref_slice %arg5[%run_scoped3A_7, %dma_wait3A_189] : memref<4x128xi32, #tpu.memory_space<vmem>> -> memref<1x128xi32, #tpu.memory_space<vmem>>
      %dma_wait3A_191 = tpu.memref_squeeze %dma_wait3A_190 : memref<1x128xi32, #tpu.memory_space<vmem>> -> memref<128xi32, #tpu.memory_space<vmem>>
      %dma_wait3A_192 = tpu.memref_slice %arg3[%add3A_6] : memref<16384xi32, #tpu.memory_space<hbm>> -> memref<128xi32, #tpu.memory_space<hbm>>
      %dma_wait3A_193 = arith.constant 0 : i32
      %dma_wait3A_194 = tpu.memref_slice %arg5[%run_scoped3A_7, %dma_wait3A_193] : memref<4x128xi32, #tpu.memory_space<vmem>> -> memref<1x128xi32, #tpu.memory_space<vmem>>
      %dma_wait3A_195 = tpu.memref_squeeze %dma_wait3A_194 : memref<1x128xi32, #tpu.memory_space<vmem>> -> memref<128xi32, #tpu.memory_space<vmem>>
      %dma_wait3A_196 = tpu.memref_slice %arg3[%add3A_6] : memref<16384xi32, #tpu.memory_space<hbm>> -> memref<128xi32, #tpu.memory_space<hbm>>
      tpu.wait_dma2 semaphore(%run_scoped3A_180 : memref<!tpu.dma_semaphore, #tpu.memory_space<semaphore_mem>>) src(%dma_wait3A_196 : memref<128xi32, #tpu.memory_space<hbm>>) dst(%dma_wait3A_195 : memref<128xi32, #tpu.memory_space<vmem>>)
      tpu.yield
    }) : () -> ()
    %add3A_8 = arith.constant 256 : i32
    %add3A_9 = arith.addi %mul3A_2, %add3A_8 : i32
    %run_scoped3A_10 = arith.constant 2 : i32
    "tpu.region"() ({
      %run_scoped3A_180 = tpu.sem_alloc : memref<!tpu.dma_semaphore, #tpu.memory_space<semaphore_mem>>
      %dma_start3A_181 = arith.constant 0 : i32
      %dma_start3A_182 = tpu.memref_slice %arg5[%run_scoped3A_10, %dma_start3A_181] : memref<4x128xi32, #tpu.memory_space<vmem>> -> memref<1x128xi32, #tpu.memory_space<vmem>>
      %dma_start3A_183 = tpu.memref_squeeze %dma_start3A_182 : memref<1x128xi32, #tpu.memory_space<vmem>> -> memref<128xi32, #tpu.memory_space<vmem>>
      %dma_start3A_184 = tpu.memref_slice %arg3[%add3A_9] : memref<16384xi32, #tpu.memory_space<hbm>> -> memref<128xi32, #tpu.memory_space<hbm>>
      %dma_start3A_185 = arith.constant 0 : i32
      %dma_start3A_186 = tpu.memref_slice %arg5[%run_scoped3A_10, %dma_start3A_185] : memref<4x128xi32, #tpu.memory_space<vmem>> -> memref<1x128xi32, #tpu.memory_space<vmem>>
      %dma_start3A_187 = tpu.memref_squeeze %dma_start3A_186 : memref<1x128xi32, #tpu.memory_space<vmem>> -> memref<128xi32, #tpu.memory_space<vmem>>
      %dma_start3A_188 = tpu.memref_slice %arg3[%add3A_9] : memref<16384xi32, #tpu.memory_space<hbm>> -> memref<128xi32, #tpu.memory_space<hbm>>
      tpu.enqueue_dma source(%dma_start3A_188 : memref<128xi32, #tpu.memory_space<hbm>>) target(%dma_start3A_187 : memref<128xi32, #tpu.memory_space<vmem>>) target_semaphore(%run_scoped3A_180 : memref<!tpu.dma_semaphore, #tpu.memory_space<semaphore_mem>>)
      %dma_wait3A_189 = arith.constant 0 : i32
      %dma_wait3A_190 = tpu.memref_slice %arg5[%run_scoped3A_10, %dma_wait3A_189] : memref<4x128xi32, #tpu.memory_space<vmem>> -> memref<1x128xi32, #tpu.memory_space<vmem>>
      %dma_wait3A_191 = tpu.memref_squeeze %dma_wait3A_190 : memref<1x128xi32, #tpu.memory_space<vmem>> -> memref<128xi32, #tpu.memory_space<vmem>>
      %dma_wait3A_192 = tpu.memref_slice %arg3[%add3A_9] : memref<16384xi32, #tpu.memory_space<hbm>> -> memref<128xi32, #tpu.memory_space<hbm>>
      %dma_wait3A_193 = arith.constant 0 : i32
      %dma_wait3A_194 = tpu.memref_slice %arg5[%run_scoped3A_10, %dma_wait3A_193] : memref<4x128xi32, #tpu.memory_space<vmem>> -> memref<1x128xi32, #tpu.memory_space<vmem>>
      %dma_wait3A_195 = tpu.memref_squeeze %dma_wait3A_194 : memref<1x128xi32, #tpu.memory_space<vmem>> -> memref<128xi32, #tpu.memory_space<vmem>>
      %dma_wait3A_196 = tpu.memref_slice %arg3[%add3A_9] : memref<16384xi32, #tpu.memory_space<hbm>> -> memref<128xi32, #tpu.memory_space<hbm>>
      tpu.wait_dma2 semaphore(%run_scoped3A_180 : memref<!tpu.dma_semaphore, #tpu.memory_space<semaphore_mem>>) src(%dma_wait3A_196 : memref<128xi32, #tpu.memory_space<hbm>>) dst(%dma_wait3A_195 : memref<128xi32, #tpu.memory_space<vmem>>)
      tpu.yield
    }) : () -> ()
    %add3A_11 = arith.constant 384 : i32
    %add3A_12 = arith.addi %mul3A_2, %add3A_11 : i32
    %run_scoped3A_13 = arith.constant 3 : i32
    "tpu.region"() ({
      %run_scoped3A_180 = tpu.sem_alloc : memref<!tpu.dma_semaphore, #tpu.memory_space<semaphore_mem>>
      %dma_start3A_181 = arith.constant 0 : i32
      %dma_start3A_182 = tpu.memref_slice %arg5[%run_scoped3A_13, %dma_start3A_181] : memref<4x128xi32, #tpu.memory_space<vmem>> -> memref<1x128xi32, #tpu.memory_space<vmem>>
      %dma_start3A_183 = tpu.memref_squeeze %dma_start3A_182 : memref<1x128xi32, #tpu.memory_space<vmem>> -> memref<128xi32, #tpu.memory_space<vmem>>
      %dma_start3A_184 = tpu.memref_slice %arg3[%add3A_12] : memref<16384xi32, #tpu.memory_space<hbm>> -> memref<128xi32, #tpu.memory_space<hbm>>
      %dma_start3A_185 = arith.constant 0 : i32
      %dma_start3A_186 = tpu.memref_slice %arg5[%run_scoped3A_13, %dma_start3A_185] : memref<4x128xi32, #tpu.memory_space<vmem>> -> memref<1x128xi32, #tpu.memory_space<vmem>>
      %dma_start3A_187 = tpu.memref_squeeze %dma_start3A_186 : memref<1x128xi32, #tpu.memory_space<vmem>> -> memref<128xi32, #tpu.memory_space<vmem>>
      %dma_start3A_188 = tpu.memref_slice %arg3[%add3A_12] : memref<16384xi32, #tpu.memory_space<hbm>> -> memref<128xi32, #tpu.memory_space<hbm>>
      tpu.enqueue_dma source(%dma_start3A_188 : memref<128xi32, #tpu.memory_space<hbm>>) target(%dma_start3A_187 : memref<128xi32, #tpu.memory_space<vmem>>) target_semaphore(%run_scoped3A_180 : memref<!tpu.dma_semaphore, #tpu.memory_space<semaphore_mem>>)
      %dma_wait3A_189 = arith.constant 0 : i32
      %dma_wait3A_190 = tpu.memref_slice %arg5[%run_scoped3A_13, %dma_wait3A_189] : memref<4x128xi32, #tpu.memory_space<vmem>> -> memref<1x128xi32, #tpu.memory_space<vmem>>
      %dma_wait3A_191 = tpu.memref_squeeze %dma_wait3A_190 : memref<1x128xi32, #tpu.memory_space<vmem>> -> memref<128xi32, #tpu.memory_space<vmem>>
      %dma_wait3A_192 = tpu.memref_slice %arg3[%add3A_12] : memref<16384xi32, #tpu.memory_space<hbm>> -> memref<128xi32, #tpu.memory_space<hbm>>
      %dma_wait3A_193 = arith.constant 0 : i32
      %dma_wait3A_194 = tpu.memref_slice %arg5[%run_scoped3A_13, %dma_wait3A_193] : memref<4x128xi32, #tpu.memory_space<vmem>> -> memref<1x128xi32, #tpu.memory_space<vmem>>
      %dma_wait3A_195 = tpu.memref_squeeze %dma_wait3A_194 : memref<1x128xi32, #tpu.memory_space<vmem>> -> memref<128xi32, #tpu.memory_space<vmem>>
      %dma_wait3A_196 = tpu.memref_slice %arg3[%add3A_12] : memref<16384xi32, #tpu.memory_space<hbm>> -> memref<128xi32, #tpu.memory_space<hbm>>
      tpu.wait_dma2 semaphore(%run_scoped3A_180 : memref<!tpu.dma_semaphore, #tpu.memory_space<semaphore_mem>>) src(%dma_wait3A_196 : memref<128xi32, #tpu.memory_space<hbm>>) dst(%dma_wait3A_195 : memref<128xi32, #tpu.memory_space<vmem>>)
      tpu.yield
    }) : () -> ()
    %dma_start3A = arith.constant 0 : i32
    %dma_start3A_14 = arith.constant 0 : i32
    %dma_start3A_15 = arith.constant 0 : i32
    %dma_start3A_16 = tpu.memref_slice %arg6[%dma_start3A_14, %dma_start3A_15] : memref<512x128xf32, #tpu.memory_space<vmem>> -> memref<128x128xf32, #tpu.memory_space<vmem>>
    %dma_start3A_17 = arith.constant 0 : i32
    %dma_start3A_18 = tpu.memref_slice %arg5[%dma_start3A, %dma_start3A_17] : memref<4x128xi32, #tpu.memory_space<vmem>> -> memref<1x128xi32, #tpu.memory_space<vmem>>
    %dma_start3A_19 = tpu.memref_squeeze %dma_start3A_18 : memref<1x128xi32, #tpu.memory_space<vmem>> -> memref<128xi32, #tpu.memory_space<vmem>>
    %dma_start3A_20 = arith.constant 0 : i32
    %dma_start3A_21 = arith.constant 0 : i32
    %dma_start3A_22 = tpu.memref_slice %arg2[%dma_start3A_20, %dma_start3A_21] : memref<1024x128xf32, #tpu.memory_space<hbm>> -> memref<1024x128xf32, #tpu.memory_space<hbm>>
    tpu.enqueue_indirect_dma source(%dma_start3A_22 : memref<1024x128xf32, #tpu.memory_space<hbm>>) target(%dma_start3A_16 : memref<128x128xf32, #tpu.memory_space<vmem>>) offsets(%dma_start3A_19 : memref<128xi32, #tpu.memory_space<vmem>>) semaphore(%arg7 : memref<!tpu.dma_semaphore, #tpu.memory_space<semaphore_mem>>)
    %dma_start3A_23 = arith.constant 1 : i32
    %dma_start3A_24 = arith.constant 128 : i32
    %dma_start3A_25 = arith.constant 0 : i32
    %dma_start3A_26 = tpu.memref_slice %arg6[%dma_start3A_24, %dma_start3A_25] : memref<512x128xf32, #tpu.memory_space<vmem>> -> memref<128x128xf32, #tpu.memory_space<vmem>>
    %dma_start3A_27 = arith.constant 0 : i32
    %dma_start3A_28 = tpu.memref_slice %arg5[%dma_start3A_23, %dma_start3A_27] : memref<4x128xi32, #tpu.memory_space<vmem>> -> memref<1x128xi32, #tpu.memory_space<vmem>>
    %dma_start3A_29 = tpu.memref_squeeze %dma_start3A_28 : memref<1x128xi32, #tpu.memory_space<vmem>> -> memref<128xi32, #tpu.memory_space<vmem>>
    %dma_start3A_30 = arith.constant 0 : i32
    %dma_start3A_31 = arith.constant 0 : i32
    %dma_start3A_32 = tpu.memref_slice %arg2[%dma_start3A_30, %dma_start3A_31] : memref<1024x128xf32, #tpu.memory_space<hbm>> -> memref<1024x128xf32, #tpu.memory_space<hbm>>
    tpu.enqueue_indirect_dma source(%dma_start3A_32 : memref<1024x128xf32, #tpu.memory_space<hbm>>) target(%dma_start3A_26 : memref<128x128xf32, #tpu.memory_space<vmem>>) offsets(%dma_start3A_29 : memref<128xi32, #tpu.memory_space<vmem>>) semaphore(%arg7 : memref<!tpu.dma_semaphore, #tpu.memory_space<semaphore_mem>>)
    %dma_start3A_33 = arith.constant 2 : i32
    %dma_start3A_34 = arith.constant 256 : i32
    %dma_start3A_35 = arith.constant 0 : i32
    %dma_start3A_36 = tpu.memref_slice %arg6[%dma_start3A_34, %dma_start3A_35] : memref<512x128xf32, #tpu.memory_space<vmem>> -> memref<128x128xf32, #tpu.memory_space<vmem>>
    %dma_start3A_37 = arith.constant 0 : i32
    %dma_start3A_38 = tpu.memref_slice %arg5[%dma_start3A_33, %dma_start3A_37] : memref<4x128xi32, #tpu.memory_space<vmem>> -> memref<1x128xi32, #tpu.memory_space<vmem>>
    %dma_start3A_39 = tpu.memref_squeeze %dma_start3A_38 : memref<1x128xi32, #tpu.memory_space<vmem>> -> memref<128xi32, #tpu.memory_space<vmem>>
    %dma_start3A_40 = arith.constant 0 : i32
    %dma_start3A_41 = arith.constant 0 : i32
    %dma_start3A_42 = tpu.memref_slice %arg2[%dma_start3A_40, %dma_start3A_41] : memref<1024x128xf32, #tpu.memory_space<hbm>> -> memref<1024x128xf32, #tpu.memory_space<hbm>>
    tpu.enqueue_indirect_dma source(%dma_start3A_42 : memref<1024x128xf32, #tpu.memory_space<hbm>>) target(%dma_start3A_36 : memref<128x128xf32, #tpu.memory_space<vmem>>) offsets(%dma_start3A_39 : memref<128xi32, #tpu.memory_space<vmem>>) semaphore(%arg7 : memref<!tpu.dma_semaphore, #tpu.memory_space<semaphore_mem>>)
    %dma_start3A_43 = arith.constant 3 : i32
    %dma_start3A_44 = arith.constant 384 : i32
    %dma_start3A_45 = arith.constant 0 : i32
    %dma_start3A_46 = tpu.memref_slice %arg6[%dma_start3A_44, %dma_start3A_45] : memref<512x128xf32, #tpu.memory_space<vmem>> -> memref<128x128xf32, #tpu.memory_space<vmem>>
    %dma_start3A_47 = arith.constant 0 : i32
    %dma_start3A_48 = tpu.memref_slice %arg5[%dma_start3A_43, %dma_start3A_47] : memref<4x128xi32, #tpu.memory_space<vmem>> -> memref<1x128xi32, #tpu.memory_space<vmem>>
    %dma_start3A_49 = tpu.memref_squeeze %dma_start3A_48 : memref<1x128xi32, #tpu.memory_space<vmem>> -> memref<128xi32, #tpu.memory_space<vmem>>
    %dma_start3A_50 = arith.constant 0 : i32
    %dma_start3A_51 = arith.constant 0 : i32
    %dma_start3A_52 = tpu.memref_slice %arg2[%dma_start3A_50, %dma_start3A_51] : memref<1024x128xf32, #tpu.memory_space<hbm>> -> memref<1024x128xf32, #tpu.memory_space<hbm>>
    tpu.enqueue_indirect_dma source(%dma_start3A_52 : memref<1024x128xf32, #tpu.memory_space<hbm>>) target(%dma_start3A_46 : memref<128x128xf32, #tpu.memory_space<vmem>>) offsets(%dma_start3A_49 : memref<128xi32, #tpu.memory_space<vmem>>) semaphore(%arg7 : memref<!tpu.dma_semaphore, #tpu.memory_space<semaphore_mem>>)
    %dma_wait3A = arith.constant 0 : i32
    %dma_wait3A_53 = arith.constant 0 : i32
    %dma_wait3A_54 = arith.constant 0 : i32
    %dma_wait3A_55 = tpu.memref_slice %arg6[%dma_wait3A_53, %dma_wait3A_54] : memref<512x128xf32, #tpu.memory_space<vmem>> -> memref<128x128xf32, #tpu.memory_space<vmem>>
    %dma_wait3A_56 = arith.constant 0 : i32
    %dma_wait3A_57 = tpu.memref_slice %arg5[%dma_wait3A, %dma_wait3A_56] : memref<4x128xi32, #tpu.memory_space<vmem>> -> memref<1x128xi32, #tpu.memory_space<vmem>>
    %dma_wait3A_58 = tpu.memref_squeeze %dma_wait3A_57 : memref<1x128xi32, #tpu.memory_space<vmem>> -> memref<128xi32, #tpu.memory_space<vmem>>
    %dma_wait3A_59 = arith.constant 0 : i32
    %dma_wait3A_60 = arith.constant 0 : i32
    %dma_wait3A_61 = tpu.memref_slice %arg2[%dma_wait3A_59, %dma_wait3A_60] : memref<1024x128xf32, #tpu.memory_space<hbm>> -> memref<1024x128xf32, #tpu.memory_space<hbm>>
    tpu.wait_indirect_dma semaphore(%arg7 : memref<!tpu.dma_semaphore, #tpu.memory_space<semaphore_mem>>) src(%dma_wait3A_61 : memref<1024x128xf32, #tpu.memory_space<hbm>>) dst(%dma_wait3A_55 : memref<128x128xf32, #tpu.memory_space<vmem>>)
    %add3A_62 = arith.constant 0 : i32
    %add3A_63 = arith.addi %mul3A_2, %add3A_62 : i32
    %dma_start3A_64 = arith.constant 0 : i32
    %dma_start3A_65 = arith.constant 0 : i32
    %dma_start3A_66 = tpu.memref_slice %arg6[%dma_start3A_64, %dma_start3A_65] : memref<512x128xf32, #tpu.memory_space<vmem>> -> memref<128x128xf32, #tpu.memory_space<vmem>>
    %dma_start3A_67 = arith.constant 0 : i32
    %dma_start3A_68 = tpu.memref_slice %arg4[%add3A_63, %dma_start3A_67] : memref<16384x128xf32, #tpu.memory_space<hbm>> -> memref<128x128xf32, #tpu.memory_space<hbm>>
    %dma_start3A_69 = arith.constant 0 : i32
    %dma_start3A_70 = tpu.memref_slice %arg4[%add3A_63, %dma_start3A_69] : memref<16384x128xf32, #tpu.memory_space<hbm>> -> memref<128x128xf32, #tpu.memory_space<hbm>>
    %dma_start3A_71 = arith.constant 0 : i32
    %dma_start3A_72 = arith.constant 0 : i32
    %dma_start3A_73 = tpu.memref_slice %arg6[%dma_start3A_71, %dma_start3A_72] : memref<512x128xf32, #tpu.memory_space<vmem>> -> memref<128x128xf32, #tpu.memory_space<vmem>>
    tpu.enqueue_dma source(%dma_start3A_73 : memref<128x128xf32, #tpu.memory_space<vmem>>) target(%dma_start3A_70 : memref<128x128xf32, #tpu.memory_space<hbm>>) target_semaphore(%arg8 : memref<!tpu.dma_semaphore, #tpu.memory_space<semaphore_mem>>)
    %dma_wait3A_74 = arith.constant 1 : i32
    %dma_wait3A_75 = arith.constant 128 : i32
    %dma_wait3A_76 = arith.constant 0 : i32
    %dma_wait3A_77 = tpu.memref_slice %arg6[%dma_wait3A_75, %dma_wait3A_76] : memref<512x128xf32, #tpu.memory_space<vmem>> -> memref<128x128xf32, #tpu.memory_space<vmem>>
    %dma_wait3A_78 = arith.constant 0 : i32
    %dma_wait3A_79 = tpu.memref_slice %arg5[%dma_wait3A_74, %dma_wait3A_78] : memref<4x128xi32, #tpu.memory_space<vmem>> -> memref<1x128xi32, #tpu.memory_space<vmem>>
    %dma_wait3A_80 = tpu.memref_squeeze %dma_wait3A_79 : memref<1x128xi32, #tpu.memory_space<vmem>> -> memref<128xi32, #tpu.memory_space<vmem>>
    %dma_wait3A_81 = arith.constant 0 : i32
    %dma_wait3A_82 = arith.constant 0 : i32
    %dma_wait3A_83 = tpu.memref_slice %arg2[%dma_wait3A_81, %dma_wait3A_82] : memref<1024x128xf32, #tpu.memory_space<hbm>> -> memref<1024x128xf32, #tpu.memory_space<hbm>>
    tpu.wait_indirect_dma semaphore(%arg7 : memref<!tpu.dma_semaphore, #tpu.memory_space<semaphore_mem>>) src(%dma_wait3A_83 : memref<1024x128xf32, #tpu.memory_space<hbm>>) dst(%dma_wait3A_77 : memref<128x128xf32, #tpu.memory_space<vmem>>)
    %add3A_84 = arith.constant 128 : i32
    %add3A_85 = arith.addi %mul3A_2, %add3A_84 : i32
    %dma_start3A_86 = arith.constant 128 : i32
    %dma_start3A_87 = arith.constant 0 : i32
    %dma_start3A_88 = tpu.memref_slice %arg6[%dma_start3A_86, %dma_start3A_87] : memref<512x128xf32, #tpu.memory_space<vmem>> -> memref<128x128xf32, #tpu.memory_space<vmem>>
    %dma_start3A_89 = arith.constant 0 : i32
    %dma_start3A_90 = tpu.memref_slice %arg4[%add3A_85, %dma_start3A_89] : memref<16384x128xf32, #tpu.memory_space<hbm>> -> memref<128x128xf32, #tpu.memory_space<hbm>>
    %dma_start3A_91 = arith.constant 0 : i32
    %dma_start3A_92 = tpu.memref_slice %arg4[%add3A_85, %dma_start3A_91] : memref<16384x128xf32, #tpu.memory_space<hbm>> -> memref<128x128xf32, #tpu.memory_space<hbm>>
    %dma_start3A_93 = arith.constant 128 : i32
    %dma_start3A_94 = arith.constant 0 : i32
    %dma_start3A_95 = tpu.memref_slice %arg6[%dma_start3A_93, %dma_start3A_94] : memref<512x128xf32, #tpu.memory_space<vmem>> -> memref<128x128xf32, #tpu.memory_space<vmem>>
    tpu.enqueue_dma source(%dma_start3A_95 : memref<128x128xf32, #tpu.memory_space<vmem>>) target(%dma_start3A_92 : memref<128x128xf32, #tpu.memory_space<hbm>>) target_semaphore(%arg8 : memref<!tpu.dma_semaphore, #tpu.memory_space<semaphore_mem>>)
    %dma_wait3A_96 = arith.constant 2 : i32
    %dma_wait3A_97 = arith.constant 256 : i32
    %dma_wait3A_98 = arith.constant 0 : i32
    %dma_wait3A_99 = tpu.memref_slice %arg6[%dma_wait3A_97, %dma_wait3A_98] : memref<512x128xf32, #tpu.memory_space<vmem>> -> memref<128x128xf32, #tpu.memory_space<vmem>>
    %dma_wait3A_100 = arith.constant 0 : i32
    %dma_wait3A_101 = tpu.memref_slice %arg5[%dma_wait3A_96, %dma_wait3A_100] : memref<4x128xi32, #tpu.memory_space<vmem>> -> memref<1x128xi32, #tpu.memory_space<vmem>>
    %dma_wait3A_102 = tpu.memref_squeeze %dma_wait3A_101 : memref<1x128xi32, #tpu.memory_space<vmem>> -> memref<128xi32, #tpu.memory_space<vmem>>
    %dma_wait3A_103 = arith.constant 0 : i32
    %dma_wait3A_104 = arith.constant 0 : i32
    %dma_wait3A_105 = tpu.memref_slice %arg2[%dma_wait3A_103, %dma_wait3A_104] : memref<1024x128xf32, #tpu.memory_space<hbm>> -> memref<1024x128xf32, #tpu.memory_space<hbm>>
    tpu.wait_indirect_dma semaphore(%arg7 : memref<!tpu.dma_semaphore, #tpu.memory_space<semaphore_mem>>) src(%dma_wait3A_105 : memref<1024x128xf32, #tpu.memory_space<hbm>>) dst(%dma_wait3A_99 : memref<128x128xf32, #tpu.memory_space<vmem>>)
    %add3A_106 = arith.constant 256 : i32
    %add3A_107 = arith.addi %mul3A_2, %add3A_106 : i32
    %dma_start3A_108 = arith.constant 256 : i32
    %dma_start3A_109 = arith.constant 0 : i32
    %dma_start3A_110 = tpu.memref_slice %arg6[%dma_start3A_108, %dma_start3A_109] : memref<512x128xf32, #tpu.memory_space<vmem>> -> memref<128x128xf32, #tpu.memory_space<vmem>>
    %dma_start3A_111 = arith.constant 0 : i32
    %dma_start3A_112 = tpu.memref_slice %arg4[%add3A_107, %dma_start3A_111] : memref<16384x128xf32, #tpu.memory_space<hbm>> -> memref<128x128xf32, #tpu.memory_space<hbm>>
    %dma_start3A_113 = arith.constant 0 : i32
    %dma_start3A_114 = tpu.memref_slice %arg4[%add3A_107, %dma_start3A_113] : memref<16384x128xf32, #tpu.memory_space<hbm>> -> memref<128x128xf32, #tpu.memory_space<hbm>>
    %dma_start3A_115 = arith.constant 256 : i32
    %dma_start3A_116 = arith.constant 0 : i32
    %dma_start3A_117 = tpu.memref_slice %arg6[%dma_start3A_115, %dma_start3A_116] : memref<512x128xf32, #tpu.memory_space<vmem>> -> memref<128x128xf32, #tpu.memory_space<vmem>>
    tpu.enqueue_dma source(%dma_start3A_117 : memref<128x128xf32, #tpu.memory_space<vmem>>) target(%dma_start3A_114 : memref<128x128xf32, #tpu.memory_space<hbm>>) target_semaphore(%arg8 : memref<!tpu.dma_semaphore, #tpu.memory_space<semaphore_mem>>)
    %dma_wait3A_118 = arith.constant 3 : i32
    %dma_wait3A_119 = arith.constant 384 : i32
    %dma_wait3A_120 = arith.constant 0 : i32
    %dma_wait3A_121 = tpu.memref_slice %arg6[%dma_wait3A_119, %dma_wait3A_120] : memref<512x128xf32, #tpu.memory_space<vmem>> -> memref<128x128xf32, #tpu.memory_space<vmem>>
    %dma_wait3A_122 = arith.constant 0 : i32
    %dma_wait3A_123 = tpu.memref_slice %arg5[%dma_wait3A_118, %dma_wait3A_122] : memref<4x128xi32, #tpu.memory_space<vmem>> -> memref<1x128xi32, #tpu.memory_space<vmem>>
    %dma_wait3A_124 = tpu.memref_squeeze %dma_wait3A_123 : memref<1x128xi32, #tpu.memory_space<vmem>> -> memref<128xi32, #tpu.memory_space<vmem>>
    %dma_wait3A_125 = arith.constant 0 : i32
    %dma_wait3A_126 = arith.constant 0 : i32
    %dma_wait3A_127 = tpu.memref_slice %arg2[%dma_wait3A_125, %dma_wait3A_126] : memref<1024x128xf32, #tpu.memory_space<hbm>> -> memref<1024x128xf32, #tpu.memory_space<hbm>>
    tpu.wait_indirect_dma semaphore(%arg7 : memref<!tpu.dma_semaphore, #tpu.memory_space<semaphore_mem>>) src(%dma_wait3A_127 : memref<1024x128xf32, #tpu.memory_space<hbm>>) dst(%dma_wait3A_121 : memref<128x128xf32, #tpu.memory_space<vmem>>)
    %add3A_128 = arith.constant 384 : i32
    %add3A_129 = arith.addi %mul3A_2, %add3A_128 : i32
    %dma_start3A_130 = arith.constant 384 : i32
    %dma_start3A_131 = arith.constant 0 : i32
    %dma_start3A_132 = tpu.memref_slice %arg6[%dma_start3A_130, %dma_start3A_131] : memref<512x128xf32, #tpu.memory_space<vmem>> -> memref<128x128xf32, #tpu.memory_space<vmem>>
    %dma_start3A_133 = arith.constant 0 : i32
    %dma_start3A_134 = tpu.memref_slice %arg4[%add3A_129, %dma_start3A_133] : memref<16384x128xf32, #tpu.memory_space<hbm>> -> memref<128x128xf32, #tpu.memory_space<hbm>>
    %dma_start3A_135 = arith.constant 0 : i32
    %dma_start3A_136 = tpu.memref_slice %arg4[%add3A_129, %dma_start3A_135] : memref<16384x128xf32, #tpu.memory_space<hbm>> -> memref<128x128xf32, #tpu.memory_space<hbm>>
    %dma_start3A_137 = arith.constant 384 : i32
    %dma_start3A_138 = arith.constant 0 : i32
    %dma_start3A_139 = tpu.memref_slice %arg6[%dma_start3A_137, %dma_start3A_138] : memref<512x128xf32, #tpu.memory_space<vmem>> -> memref<128x128xf32, #tpu.memory_space<vmem>>
    tpu.enqueue_dma source(%dma_start3A_139 : memref<128x128xf32, #tpu.memory_space<vmem>>) target(%dma_start3A_136 : memref<128x128xf32, #tpu.memory_space<hbm>>) target_semaphore(%arg8 : memref<!tpu.dma_semaphore, #tpu.memory_space<semaphore_mem>>)
    %dma_wait3A_140 = arith.constant 0 : i32
    %dma_wait3A_141 = arith.constant 0 : i32
    %dma_wait3A_142 = tpu.memref_slice %arg6[%dma_wait3A_140, %dma_wait3A_141] : memref<512x128xf32, #tpu.memory_space<vmem>> -> memref<128x128xf32, #tpu.memory_space<vmem>>
    %dma_wait3A_143 = arith.constant 0 : i32
    %dma_wait3A_144 = tpu.memref_slice %arg4[%add3A_63, %dma_wait3A_143] : memref<16384x128xf32, #tpu.memory_space<hbm>> -> memref<128x128xf32, #tpu.memory_space<hbm>>
    %dma_wait3A_145 = arith.constant 0 : i32
    %dma_wait3A_146 = tpu.memref_slice %arg4[%add3A_63, %dma_wait3A_145] : memref<16384x128xf32, #tpu.memory_space<hbm>> -> memref<128x128xf32, #tpu.memory_space<hbm>>
    %dma_wait3A_147 = arith.constant 0 : i32
    %dma_wait3A_148 = arith.constant 0 : i32
    %dma_wait3A_149 = tpu.memref_slice %arg6[%dma_wait3A_147, %dma_wait3A_148] : memref<512x128xf32, #tpu.memory_space<vmem>> -> memref<128x128xf32, #tpu.memory_space<vmem>>
    tpu.wait_dma2 semaphore(%arg8 : memref<!tpu.dma_semaphore, #tpu.memory_space<semaphore_mem>>) src(%dma_wait3A_149 : memref<128x128xf32, #tpu.memory_space<vmem>>) dst(%dma_wait3A_146 : memref<128x128xf32, #tpu.memory_space<hbm>>)
    %dma_wait3A_150 = arith.constant 128 : i32
    %dma_wait3A_151 = arith.constant 0 : i32
    %dma_wait3A_152 = tpu.memref_slice %arg6[%dma_wait3A_150, %dma_wait3A_151] : memref<512x128xf32, #tpu.memory_space<vmem>> -> memref<128x128xf32, #tpu.memory_space<vmem>>
    %dma_wait3A_153 = arith.constant 0 : i32
    %dma_wait3A_154 = tpu.memref_slice %arg4[%add3A_85, %dma_wait3A_153] : memref<16384x128xf32, #tpu.memory_space<hbm>> -> memref<128x128xf32, #tpu.memory_space<hbm>>
    %dma_wait3A_155 = arith.constant 0 : i32
    %dma_wait3A_156 = tpu.memref_slice %arg4[%add3A_85, %dma_wait3A_155] : memref<16384x128xf32, #tpu.memory_space<hbm>> -> memref<128x128xf32, #tpu.memory_space<hbm>>
    %dma_wait3A_157 = arith.constant 128 : i32
    %dma_wait3A_158 = arith.constant 0 : i32
    %dma_wait3A_159 = tpu.memref_slice %arg6[%dma_wait3A_157, %dma_wait3A_158] : memref<512x128xf32, #tpu.memory_space<vmem>> -> memref<128x128xf32, #tpu.memory_space<vmem>>
    tpu.wait_dma2 semaphore(%arg8 : memref<!tpu.dma_semaphore, #tpu.memory_space<semaphore_mem>>) src(%dma_wait3A_159 : memref<128x128xf32, #tpu.memory_space<vmem>>) dst(%dma_wait3A_156 : memref<128x128xf32, #tpu.memory_space<hbm>>)
    %dma_wait3A_160 = arith.constant 256 : i32
    %dma_wait3A_161 = arith.constant 0 : i32
    %dma_wait3A_162 = tpu.memref_slice %arg6[%dma_wait3A_160, %dma_wait3A_161] : memref<512x128xf32, #tpu.memory_space<vmem>> -> memref<128x128xf32, #tpu.memory_space<vmem>>
    %dma_wait3A_163 = arith.constant 0 : i32
    %dma_wait3A_164 = tpu.memref_slice %arg4[%add3A_107, %dma_wait3A_163] : memref<16384x128xf32, #tpu.memory_space<hbm>> -> memref<128x128xf32, #tpu.memory_space<hbm>>
    %dma_wait3A_165 = arith.constant 0 : i32
    %dma_wait3A_166 = tpu.memref_slice %arg4[%add3A_107, %dma_wait3A_165] : memref<16384x128xf32, #tpu.memory_space<hbm>> -> memref<128x128xf32, #tpu.memory_space<hbm>>
    %dma_wait3A_167 = arith.constant 256 : i32
    %dma_wait3A_168 = arith.constant 0 : i32
    %dma_wait3A_169 = tpu.memref_slice %arg6[%dma_wait3A_167, %dma_wait3A_168] : memref<512x128xf32, #tpu.memory_space<vmem>> -> memref<128x128xf32, #tpu.memory_space<vmem>>
    tpu.wait_dma2 semaphore(%arg8 : memref<!tpu.dma_semaphore, #tpu.memory_space<semaphore_mem>>) src(%dma_wait3A_169 : memref<128x128xf32, #tpu.memory_space<vmem>>) dst(%dma_wait3A_166 : memref<128x128xf32, #tpu.memory_space<hbm>>)
    %dma_wait3A_170 = arith.constant 384 : i32
    %dma_wait3A_171 = arith.constant 0 : i32
    %dma_wait3A_172 = tpu.memref_slice %arg6[%dma_wait3A_170, %dma_wait3A_171] : memref<512x128xf32, #tpu.memory_space<vmem>> -> memref<128x128xf32, #tpu.memory_space<vmem>>
    %dma_wait3A_173 = arith.constant 0 : i32
    %dma_wait3A_174 = tpu.memref_slice %arg4[%add3A_129, %dma_wait3A_173] : memref<16384x128xf32, #tpu.memory_space<hbm>> -> memref<128x128xf32, #tpu.memory_space<hbm>>
    %dma_wait3A_175 = arith.constant 0 : i32
    %dma_wait3A_176 = tpu.memref_slice %arg4[%add3A_129, %dma_wait3A_175] : memref<16384x128xf32, #tpu.memory_space<hbm>> -> memref<128x128xf32, #tpu.memory_space<hbm>>
    %dma_wait3A_177 = arith.constant 384 : i32
    %dma_wait3A_178 = arith.constant 0 : i32
    %dma_wait3A_179 = tpu.memref_slice %arg6[%dma_wait3A_177, %dma_wait3A_178] : memref<512x128xf32, #tpu.memory_space<vmem>> -> memref<128x128xf32, #tpu.memory_space<vmem>>
    tpu.wait_dma2 semaphore(%arg8 : memref<!tpu.dma_semaphore, #tpu.memory_space<semaphore_mem>>) src(%dma_wait3A_179 : memref<128x128xf32, #tpu.memory_space<vmem>>) dst(%dma_wait3A_176 : memref<128x128xf32, #tpu.memory_space<hbm>>)
    return
  }
}

module attributes {stable_mosaic.version = 14 : i64} {
  func.func @_dec_body(%arg0: i32, %arg1: i32, %arg2: memref<512x128xf32, #tpu.memory_space<vmem>>, %arg3: memref<512x512xf32, #tpu.memory_space<vmem>>, %arg4: memref<1x128xf32, #tpu.memory_space<vmem>>, %arg5: memref<1x128xf32, #tpu.memory_space<vmem>>, %arg6: memref<128x512xf32, #tpu.memory_space<vmem>>, %arg7: memref<1x512xf32, #tpu.memory_space<vmem>>, %arg8: memref<1x1xf32, #tpu.memory_space<vmem>>, %arg9: memref<1x1xf32, #tpu.memory_space<vmem>>, %arg10: memref<16384x128xf32, #tpu.memory_space<vmem>>, %arg11: memref<1x128xf32, #tpu.memory_space<vmem>>, %arg12: memref<1x128xf32, #tpu.memory_space<vmem>>, %arg13: memref<1x1xf32, #tpu.memory_space<vmem>>) attributes {dimension_semantics = [#tpu.dimension_semantics<arbitrary>, #tpu.dimension_semantics<arbitrary>], iteration_bounds = array<i64: 3, 32>, scalar_prefetch = 0 : i64, scratch_operands = 4 : i64, tpu.core_type = #tpu.core_type<tc>, window_params = [{transform_indices = @transform_0, window_bounds = array<i64: 512, 128>}, {transform_indices = @transform_1, window_bounds = array<i64: 512, 512>}, {pipeline_mode = #tpu.pipeline_mode<synchronous>, transform_indices = @transform_2, window_bounds = array<i64: 1, 128>}, {pipeline_mode = #tpu.pipeline_mode<synchronous>, transform_indices = @transform_3, window_bounds = array<i64: 1, 128>}, {pipeline_mode = #tpu.pipeline_mode<synchronous>, transform_indices = @transform_4, window_bounds = array<i64: 128, 512>}, {pipeline_mode = #tpu.pipeline_mode<synchronous>, transform_indices = @transform_5, window_bounds = array<i64: 1, 512>}, {pipeline_mode = #tpu.pipeline_mode<synchronous>, transform_indices = @transform_6, window_bounds = array<i64: 1, 1>}, {pipeline_mode = #tpu.pipeline_mode<synchronous>, transform_indices = @transform_7, window_bounds = array<i64: 1, 1>}]} {
    %mul3A = arith.constant 512 : i32
    %mul3A_0 = arith.muli %arg1, %mul3A : i32
    %eq3A = arith.constant 0 : i32
    %eq3A_1 = arith.cmpi eq, %arg0, %eq3A : i32
    %convert_element_type3A = arith.extui %eq3A_1 : i1 to i32
    %cond3A = arith.constant 0 : i32
    %cond3A_2 = arith.cmpi ne, %convert_element_type3A, %cond3A : i32
    scf.if %cond3A_2 {
      %get3A = arith.constant 0 : index
      %get3A_13 = arith.constant 0 : index
      %get3A_14 = vector.load %arg2[%get3A, %get3A_13] : memref<512x128xf32, #tpu.memory_space<vmem>>, vector<512x128xf32>
      %swap3A = arith.index_cast %mul3A_0 : i32 to index
      %swap3A_15 = arith.constant 0 : index
      %swap3A_16 = vector.load %arg10[%swap3A, %swap3A_15] : memref<16384x128xf32, #tpu.memory_space<vmem>>, vector<512x128xf32>
      tpu.vector_store %arg10[%swap3A, %swap3A_15], %get3A_14 {strides = array<i32>} : memref<16384x128xf32, #tpu.memory_space<vmem>>, vector<512x128xf32>,
      %reduce_sum3A = arith.constant dense<0.000000e+00> : vector<128xf32>
      %reduce_sum3A_17 = vector.multi_reduction <add>, %get3A_14, %reduce_sum3A [0] : vector<512x128xf32> to vector<128xf32>
      %broadcast_in_dim3A = vector.shape_cast %reduce_sum3A_17 : vector<128xf32> to vector<1x128xf32>
      %eq3A_18 = arith.constant 0 : i32
      %eq3A_19 = arith.cmpi eq, %arg1, %eq3A_18 : i32
      %convert_element_type3A_20 = arith.extui %eq3A_19 : i1 to i32
      %cond3A_21 = arith.constant 0 : i32
      %cond3A_22 = arith.cmpi ne, %convert_element_type3A_20, %cond3A_21 : i32
      scf.if %cond3A_22 {
        %swap3A_27 = arith.constant 0 : index
        %swap3A_28 = arith.constant 0 : index
        %swap3A_29 = vector.load %arg11[%swap3A_27, %swap3A_28] : memref<1x128xf32, #tpu.memory_space<vmem>>, vector<1x128xf32>
        tpu.vector_store %arg11[%swap3A_27, %swap3A_28], %broadcast_in_dim3A {strides = array<i32>} : memref<1x128xf32, #tpu.memory_space<vmem>>, vector<1x128xf32>,
      } else {
      }
      %ne3A = arith.constant 0 : i32
      %ne3A_23 = arith.cmpi ne, %arg1, %ne3A : i32
      %convert_element_type3A_24 = arith.extui %ne3A_23 : i1 to i32
      %cond3A_25 = arith.constant 0 : i32
      %cond3A_26 = arith.cmpi ne, %convert_element_type3A_24, %cond3A_25 : i32
      scf.if %cond3A_26 {
        %get3A_27 = arith.constant 0 : index
        %get3A_28 = arith.constant 0 : index
        %get3A_29 = vector.load %arg11[%get3A_27, %get3A_28] : memref<1x128xf32, #tpu.memory_space<vmem>>, vector<1x128xf32>
        %add3A = arith.addf %get3A_29, %broadcast_in_dim3A : vector<1x128xf32>
        %swap3A_30 = arith.constant 0 : index
        %swap3A_31 = arith.constant 0 : index
        %swap3A_32 = vector.load %arg11[%swap3A_30, %swap3A_31] : memref<1x128xf32, #tpu.memory_space<vmem>>, vector<1x128xf32>
        tpu.vector_store %arg11[%swap3A_30, %swap3A_31], %add3A {strides = array<i32>} : memref<1x128xf32, #tpu.memory_space<vmem>>, vector<1x128xf32>,
      } else {
      }
    } else {
    }
    %eq3A_3 = arith.constant 1 : i32
    %eq3A_4 = arith.cmpi eq, %arg0, %eq3A_3 : i32
    %convert_element_type3A_5 = arith.extui %eq3A_4 : i1 to i32
    %cond3A_6 = arith.constant 0 : i32
    %cond3A_7 = arith.cmpi ne, %convert_element_type3A_5, %cond3A_6 : i32
    scf.if %cond3A_7 {
      %get3A = arith.constant 0 : index
      %get3A_13 = arith.constant 0 : index
      %get3A_14 = vector.load %arg11[%get3A, %get3A_13] : memref<1x128xf32, #tpu.memory_space<vmem>>, vector<1x128xf32>
      %mul3A_15 = arith.constant 6.10351563E-5 : f32
      %mul3A_16 = vector.broadcast %mul3A_15 : f32 to vector<1x128xf32>
      %mul3A_17 = arith.mulf %get3A_14, %mul3A_16 : vector<1x128xf32>
      %get3A_18 = arith.index_cast %mul3A_0 : i32 to index
      %get3A_19 = arith.constant 0 : index
      %get3A_20 = vector.load %arg10[%get3A_18, %get3A_19] : memref<16384x128xf32, #tpu.memory_space<vmem>>, vector<512x128xf32>
      %sub3A = vector.broadcast %mul3A_17 : vector<1x128xf32> to vector<512x128xf32>
      %sub3A_21 = arith.subf %get3A_20, %sub3A : vector<512x128xf32>
      %mul3A_22 = arith.mulf %sub3A_21, %sub3A_21 : vector<512x128xf32>
      %reduce_sum3A = arith.constant dense<0.000000e+00> : vector<128xf32>
      %reduce_sum3A_23 = vector.multi_reduction <add>, %mul3A_22, %reduce_sum3A [0] : vector<512x128xf32> to vector<128xf32>
      %broadcast_in_dim3A = vector.shape_cast %reduce_sum3A_23 : vector<128xf32> to vector<1x128xf32>
      %eq3A_24 = arith.constant 0 : i32
      %eq3A_25 = arith.cmpi eq, %arg1, %eq3A_24 : i32
      %convert_element_type3A_26 = arith.extui %eq3A_25 : i1 to i32
      %cond3A_27 = arith.constant 0 : i32
      %cond3A_28 = arith.cmpi ne, %convert_element_type3A_26, %cond3A_27 : i32
      scf.if %cond3A_28 {
        %swap3A = arith.constant 0 : index
        %swap3A_33 = arith.constant 0 : index
        %swap3A_34 = vector.load %arg12[%swap3A, %swap3A_33] : memref<1x128xf32, #tpu.memory_space<vmem>>, vector<1x128xf32>
        tpu.vector_store %arg12[%swap3A, %swap3A_33], %broadcast_in_dim3A {strides = array<i32>} : memref<1x128xf32, #tpu.memory_space<vmem>>, vector<1x128xf32>,
      } else {
      }
      %ne3A = arith.constant 0 : i32
      %ne3A_29 = arith.cmpi ne, %arg1, %ne3A : i32
      %convert_element_type3A_30 = arith.extui %ne3A_29 : i1 to i32
      %cond3A_31 = arith.constant 0 : i32
      %cond3A_32 = arith.cmpi ne, %convert_element_type3A_30, %cond3A_31 : i32
      scf.if %cond3A_32 {
        %get3A_33 = arith.constant 0 : index
        %get3A_34 = arith.constant 0 : index
        %get3A_35 = vector.load %arg12[%get3A_33, %get3A_34] : memref<1x128xf32, #tpu.memory_space<vmem>>, vector<1x128xf32>
        %add3A = arith.addf %get3A_35, %broadcast_in_dim3A : vector<1x128xf32>
        %swap3A = arith.constant 0 : index
        %swap3A_36 = arith.constant 0 : index
        %swap3A_37 = vector.load %arg12[%swap3A, %swap3A_36] : memref<1x128xf32, #tpu.memory_space<vmem>>, vector<1x128xf32>
        tpu.vector_store %arg12[%swap3A, %swap3A_36], %add3A {strides = array<i32>} : memref<1x128xf32, #tpu.memory_space<vmem>>, vector<1x128xf32>,
      } else {
      }
    } else {
    }
    %eq3A_8 = arith.constant 2 : i32
    %eq3A_9 = arith.cmpi eq, %arg0, %eq3A_8 : i32
    %convert_element_type3A_10 = arith.extui %eq3A_9 : i1 to i32
    %cond3A_11 = arith.constant 0 : i32
    %cond3A_12 = arith.cmpi ne, %convert_element_type3A_10, %cond3A_11 : i32
    scf.if %cond3A_12 {
      %get3A = arith.constant 0 : index
      %get3A_13 = arith.constant 0 : index
      %get3A_14 = vector.load %arg11[%get3A, %get3A_13] : memref<1x128xf32, #tpu.memory_space<vmem>>, vector<1x128xf32>
      %mul3A_15 = arith.constant 6.10351563E-5 : f32
      %mul3A_16 = vector.broadcast %mul3A_15 : f32 to vector<1x128xf32>
      %mul3A_17 = arith.mulf %get3A_14, %mul3A_16 : vector<1x128xf32>
      %get3A_18 = arith.constant 0 : index
      %get3A_19 = arith.constant 0 : index
      %get3A_20 = vector.load %arg12[%get3A_18, %get3A_19] : memref<1x128xf32, #tpu.memory_space<vmem>>, vector<1x128xf32>
      %mul3A_21 = arith.constant 6.10351563E-5 : f32
      %mul3A_22 = vector.broadcast %mul3A_21 : f32 to vector<1x128xf32>
      %mul3A_23 = arith.mulf %get3A_20, %mul3A_22 : vector<1x128xf32>
      %add3A = arith.constant 9.99999974E-6 : f32
      %add3A_24 = vector.broadcast %add3A : f32 to vector<1x128xf32>
      %add3A_25 = arith.addf %mul3A_23, %add3A_24 : vector<1x128xf32>
      %sqrt3A = math.sqrt %add3A_25 : vector<1x128xf32>
      %get3A_26 = arith.index_cast %mul3A_0 : i32 to index
      %get3A_27 = arith.constant 0 : index
      %get3A_28 = vector.load %arg10[%get3A_26, %get3A_27] : memref<16384x128xf32, #tpu.memory_space<vmem>>, vector<512x128xf32>
      %sub3A = vector.broadcast %mul3A_17 : vector<1x128xf32> to vector<512x128xf32>
      %sub3A_29 = arith.subf %get3A_28, %sub3A : vector<512x128xf32>
      %div3A = vector.broadcast %sqrt3A : vector<1x128xf32> to vector<512x128xf32>
      %div3A_30 = arith.divf %sub3A_29, %div3A : vector<512x128xf32>
      %get3A_31 = arith.constant 0 : index
      %get3A_32 = arith.constant 0 : index
      %get3A_33 = vector.load %arg4[%get3A_31, %get3A_32] : memref<1x128xf32, #tpu.memory_space<vmem>>, vector<1x128xf32>
      %mul3A_34 = vector.broadcast %get3A_33 : vector<1x128xf32> to vector<512x128xf32>
      %mul3A_35 = arith.mulf %div3A_30, %mul3A_34 : vector<512x128xf32>
      %get3A_36 = arith.constant 0 : index
      %get3A_37 = arith.constant 0 : index
      %get3A_38 = vector.load %arg5[%get3A_36, %get3A_37] : memref<1x128xf32, #tpu.memory_space<vmem>>, vector<1x128xf32>
      %add3A_39 = vector.broadcast %get3A_38 : vector<1x128xf32> to vector<512x128xf32>
      %add3A_40 = arith.addf %mul3A_35, %add3A_39 : vector<512x128xf32>
      %max3A = arith.constant 0.000000e+00 : f32
      %max3A_41 = vector.broadcast %max3A : f32 to vector<512x128xf32>
      %max3A_42 = arith.maximumf %add3A_40, %max3A_41 : vector<512x128xf32>
      %get3A_43 = arith.constant 0 : index
      %get3A_44 = arith.constant 0 : index
      %get3A_45 = vector.load %arg6[%get3A_43, %get3A_44] : memref<128x512xf32, #tpu.memory_space<vmem>>, vector<128x512xf32>
      %convert_element_type3A_46 = arith.truncf %max3A_42 : vector<512x128xf32> to vector<512x128xbf16>
      %convert_element_type3A_47 = arith.truncf %get3A_45 : vector<128x512xf32> to vector<128x512xbf16>
      %dot_general3A = arith.constant dense<0.000000e+00> : vector<512x512xf32>
      %dot_general3A_48 = tpu.matmul %convert_element_type3A_46, %convert_element_type3A_47, %dot_general3A {dimension_numbers = #tpu.dot_dimension_numbers<[1], [0], [0], [1], [0, 0, 1, 1], [], []>, transpose_lhs_hint = false} : vector<512x128xbf16>, vector<128x512xbf16>, vector<512x512xf32> -> vector<512x512xf32>
      %get3A_49 = arith.constant 0 : index
      %get3A_50 = arith.constant 0 : index
      %get3A_51 = vector.load %arg7[%get3A_49, %get3A_50] : memref<1x512xf32, #tpu.memory_space<vmem>>, vector<1x512xf32>
      %add3A_52 = vector.broadcast %get3A_51 : vector<1x512xf32> to vector<512x512xf32>
      %add3A_53 = arith.addf %dot_general3A_48, %add3A_52 : vector<512x512xf32>
      %get3A_54 = arith.constant 0 : index
      %get3A_55 = arith.constant 0 : index
      %get3A_56 = vector.load %arg3[%get3A_54, %get3A_55] : memref<512x512xf32, #tpu.memory_space<vmem>>, vector<512x512xf32>
      %sub3A_57 = arith.subf %add3A_53, %get3A_56 : vector<512x512xf32>
      %mul3A_58 = arith.mulf %sub3A_57, %sub3A_57 : vector<512x512xf32>
      %reduce_sum3A = arith.constant dense<0.000000e+00> : vector<512xf32>
      %reduce_sum3A_59 = vector.multi_reduction <add>, %mul3A_58, %reduce_sum3A [1] : vector<512x512xf32> to vector<512xf32>
      %broadcast_in_dim3A = vector.shape_cast %reduce_sum3A_59 : vector<512xf32> to vector<512x1xf32>
      %reduce_sum3A_60 = arith.constant dense<0.000000e+00> : vector<1xf32>
      %reduce_sum3A_61 = vector.multi_reduction <add>, %broadcast_in_dim3A, %reduce_sum3A_60 [0] : vector<512x1xf32> to vector<1xf32>
      %broadcast_in_dim3A_62 = vector.shape_cast %reduce_sum3A_61 : vector<1xf32> to vector<1x1xf32>
      %eq3A_63 = arith.constant 0 : i32
      %eq3A_64 = arith.cmpi eq, %arg1, %eq3A_63 : i32
      %convert_element_type3A_65 = arith.extui %eq3A_64 : i1 to i32
      %cond3A_66 = arith.constant 0 : i32
      %cond3A_67 = arith.cmpi ne, %convert_element_type3A_65, %cond3A_66 : i32
      scf.if %cond3A_67 {
        %swap3A = arith.constant 0 : index
        %swap3A_77 = arith.constant 0 : index
        %swap3A_78 = vector.load %arg13[%swap3A, %swap3A_77] : memref<1x1xf32, #tpu.memory_space<vmem>>, vector<1x1xf32>
        tpu.vector_store %arg13[%swap3A, %swap3A_77], %broadcast_in_dim3A_62 {strides = array<i32>} : memref<1x1xf32, #tpu.memory_space<vmem>>, vector<1x1xf32>,
      } else {
      }
      %ne3A = arith.constant 0 : i32
      %ne3A_68 = arith.cmpi ne, %arg1, %ne3A : i32
      %convert_element_type3A_69 = arith.extui %ne3A_68 : i1 to i32
      %cond3A_70 = arith.constant 0 : i32
      %cond3A_71 = arith.cmpi ne, %convert_element_type3A_69, %cond3A_70 : i32
      scf.if %cond3A_71 {
        %get3A_77 = arith.constant 0 : index
        %get3A_78 = arith.constant 0 : index
        %get3A_79 = vector.load %arg13[%get3A_77, %get3A_78] : memref<1x1xf32, #tpu.memory_space<vmem>>, vector<1x1xf32>
        %add3A_80 = arith.addf %get3A_79, %broadcast_in_dim3A_62 : vector<1x1xf32>
        %swap3A = arith.constant 0 : index
        %swap3A_81 = arith.constant 0 : index
        %swap3A_82 = vector.load %arg13[%swap3A, %swap3A_81] : memref<1x1xf32, #tpu.memory_space<vmem>>, vector<1x1xf32>
        tpu.vector_store %arg13[%swap3A, %swap3A_81], %add3A_80 {strides = array<i32>} : memref<1x1xf32, #tpu.memory_space<vmem>>, vector<1x1xf32>,
      } else {
      }
      %eq3A_72 = arith.constant 31 : i32
      %eq3A_73 = arith.cmpi eq, %arg1, %eq3A_72 : i32
      %convert_element_type3A_74 = arith.extui %eq3A_73 : i1 to i32
      %cond3A_75 = arith.constant 0 : i32
      %cond3A_76 = arith.cmpi ne, %convert_element_type3A_74, %cond3A_75 : i32
      scf.if %cond3A_76 {
        %get3A_77 = arith.constant 0 : index
        %get3A_78 = arith.constant 0 : index
        %get3A_79 = vector.load %arg8[%get3A_77, %get3A_78] : memref<1x1xf32, #tpu.memory_space<vmem>>, vector<1x1xf32>
        %get3A_80 = arith.constant 0 : index
        %get3A_81 = arith.constant 0 : index
        %get3A_82 = vector.load %arg8[%get3A_80, %get3A_81] : memref<1x1xf32, #tpu.memory_space<vmem>>, vector<1x1xf32>
        %add3A_83 = arith.addf %get3A_79, %get3A_82 : vector<1x1xf32>
        %get3A_84 = arith.constant 0 : index
        %get3A_85 = arith.constant 0 : index
        %get3A_86 = vector.load %arg13[%get3A_84, %get3A_85] : memref<1x1xf32, #tpu.memory_space<vmem>>, vector<1x1xf32>
        %sqrt3A_87 = math.sqrt %get3A_86 : vector<1x1xf32>
        %add3A_88 = arith.addf %add3A_83, %sqrt3A_87 : vector<1x1xf32>
        %swap3A = arith.constant 0 : index
        %swap3A_89 = arith.constant 0 : index
        %swap3A_90 = vector.load %arg9[%swap3A, %swap3A_89] : memref<1x1xf32, #tpu.memory_space<vmem>>, vector<1x1xf32>
        tpu.vector_store %arg9[%swap3A, %swap3A_89], %add3A_88 {strides = array<i32>} : memref<1x1xf32, #tpu.memory_space<vmem>>, vector<1x1xf32>,
      } else {
      }
    } else {
    }
    return
  }
  func.func @transform_0(%arg0: i32, %arg1: i32) -> (i32, i32) {
    %eq3A = arith.constant 0 : i32
    %eq3A_0 = arith.cmpi eq, %arg0, %eq3A : i32
    %select_n3A = arith.constant 0 : i32
    %select_n3A_1 = arith.select %eq3A_0, %arg1, %select_n3A : i32
    %c0_i32 = arith.constant 0 : i32
    %c0_i32_2 = arith.constant 0 : i32
    return %select_n3A_1, %c0_i32 : i32, i32
  }
  func.func @transform_1(%arg0: i32, %arg1: i32) -> (i32, i32) {
    %eq3A = arith.constant 2 : i32
    %eq3A_0 = arith.cmpi eq, %arg0, %eq3A : i32
    %select_n3A = arith.constant 0 : i32
    %select_n3A_1 = arith.select %eq3A_0, %arg1, %select_n3A : i32
    %c0_i32 = arith.constant 0 : i32
    %c0_i32_2 = arith.constant 0 : i32
    return %select_n3A_1, %c0_i32 : i32, i32
  }
  func.func @transform_2(%arg0: i32, %arg1: i32) -> (i32, i32) {
    %c0_i32 = arith.constant 0 : i32
    %c0_i32_0 = arith.constant 0 : i32
    %c0_i32_1 = arith.constant 0 : i32
    return %c0_i32, %c0_i32_0 : i32, i32
  }
  func.func @transform_3(%arg0: i32, %arg1: i32) -> (i32, i32) {
    %c0_i32 = arith.constant 0 : i32
    %c0_i32_0 = arith.constant 0 : i32
    %c0_i32_1 = arith.constant 0 : i32
    return %c0_i32, %c0_i32_0 : i32, i32
  }
  func.func @transform_4(%arg0: i32, %arg1: i32) -> (i32, i32) {
    %c0_i32 = arith.constant 0 : i32
    %c0_i32_0 = arith.constant 0 : i32
    %c0_i32_1 = arith.constant 0 : i32
    return %c0_i32, %c0_i32_0 : i32, i32
  }
  func.func @transform_5(%arg0: i32, %arg1: i32) -> (i32, i32) {
    %c0_i32 = arith.constant 0 : i32
    %c0_i32_0 = arith.constant 0 : i32
    %c0_i32_1 = arith.constant 0 : i32
    return %c0_i32, %c0_i32_0 : i32, i32
  }
  func.func @transform_6(%arg0: i32, %arg1: i32) -> (i32, i32) {
    %c0_i32 = arith.constant 0 : i32
    %c0_i32_0 = arith.constant 0 : i32
    %c0_i32_1 = arith.constant 0 : i32
    return %c0_i32, %c0_i32_0 : i32, i32
  }
  func.func @transform_7(%arg0: i32, %arg1: i32) -> (i32, i32) {
    %c0_i32 = arith.constant 0 : i32
    %c0_i32_0 = arith.constant 0 : i32
    %c0_i32_1 = arith.constant 0 : i32
    return %c0_i32, %c0_i32_0 : i32, i32
  }
}

module attributes {stable_mosaic.version = 14 : i64} {
  func.func @_enc_body(%arg0: i32, %arg1: i32, %arg2: memref<512x512xf32, #tpu.memory_space<vmem>>, %arg3: memref<512x128xf32, #tpu.memory_space<vmem>>, %arg4: memref<1x128xf32, #tpu.memory_space<vmem>>, %arg5: memref<1x128xf32, #tpu.memory_space<vmem>>, %arg6: memref<1x128xf32, #tpu.memory_space<vmem>>, %arg7: memref<128x32xf32, #tpu.memory_space<vmem>>, %arg8: memref<1x32xf32, #tpu.memory_space<vmem>>, %arg9: memref<32x128xf32, #tpu.memory_space<vmem>>, %arg10: memref<1x128xf32, #tpu.memory_space<vmem>>, %arg11: memref<1024x32xf32, #tpu.memory_space<vmem>>, %arg12: memref<32x1024xf32, #tpu.memory_space<vmem>>, %arg13: memref<1x1024xf32, #tpu.memory_space<vmem>>, %arg14: memref<16384x1xi32, #tpu.memory_space<vmem>>, %arg15: memref<1x1xf32, #tpu.memory_space<vmem>>, %arg16: memref<1024x128xf32, #tpu.memory_space<vmem>>, %arg17: memref<16384x128xf32, #tpu.memory_space<vmem>>, %arg18: memref<1x128xf32, #tpu.memory_space<vmem>>, %arg19: memref<1x128xf32, #tpu.memory_space<vmem>>) attributes {dimension_semantics = [#tpu.dimension_semantics<arbitrary>, #tpu.dimension_semantics<arbitrary>], iteration_bounds = array<i64: 3, 32>, scalar_prefetch = 0 : i64, scratch_operands = 3 : i64, tpu.core_type = #tpu.core_type<tc>, window_params = [{transform_indices = @transform_0, window_bounds = array<i64: 512, 512>}, {pipeline_mode = #tpu.pipeline_mode<synchronous>, transform_indices = @transform_1, window_bounds = array<i64: 512, 128>}, {pipeline_mode = #tpu.pipeline_mode<synchronous>, transform_indices = @transform_2, window_bounds = array<i64: 1, 128>}, {pipeline_mode = #tpu.pipeline_mode<synchronous>, transform_indices = @transform_3, window_bounds = array<i64: 1, 128>}, {pipeline_mode = #tpu.pipeline_mode<synchronous>, transform_indices = @transform_4, window_bounds = array<i64: 1, 128>}, {pipeline_mode = #tpu.pipeline_mode<synchronous>, transform_indices = @transform_5, window_bounds = array<i64: 128, 32>}, {pipeline_mode = #tpu.pipeline_mode<synchronous>, transform_indices = @transform_6, window_bounds = array<i64: 1, 32>}, {pipeline_mode = #tpu.pipeline_mode<synchronous>, transform_indices = @transform_7, window_bounds = array<i64: 32, 128>}, {pipeline_mode = #tpu.pipeline_mode<synchronous>, transform_indices = @transform_8, window_bounds = array<i64: 1, 128>}, {pipeline_mode = #tpu.pipeline_mode<synchronous>, transform_indices = @transform_9, window_bounds = array<i64: 1024, 32>}, {pipeline_mode = #tpu.pipeline_mode<synchronous>, transform_indices = @transform_10, window_bounds = array<i64: 32, 1024>}, {pipeline_mode = #tpu.pipeline_mode<synchronous>, transform_indices = @transform_11, window_bounds = array<i64: 1, 1024>}, {pipeline_mode = #tpu.pipeline_mode<synchronous>, transform_indices = @transform_12, window_bounds = array<i64: 16384, 1>}, {pipeline_mode = #tpu.pipeline_mode<synchronous>, transform_indices = @transform_13, window_bounds = array<i64: 1, 1>}, {pipeline_mode = #tpu.pipeline_mode<synchronous>, transform_indices = @transform_14, window_bounds = array<i64: 1024, 128>}]} {
    %mul3A = arith.constant 512 : i32
    %mul3A_0 = arith.muli %arg1, %mul3A : i32
    %eq3A = arith.constant 0 : i32
    %eq3A_1 = arith.cmpi eq, %arg0, %eq3A : i32
    %convert_element_type3A = arith.extui %eq3A_1 : i1 to i32
    %cond3A = arith.constant 0 : i32
    %cond3A_2 = arith.cmpi ne, %convert_element_type3A, %cond3A : i32
    scf.if %cond3A_2 {
      %get3A = arith.constant 0 : index
      %get3A_13 = arith.constant 0 : index
      %get3A_14 = vector.load %arg2[%get3A, %get3A_13] : memref<512x512xf32, #tpu.memory_space<vmem>>, vector<512x512xf32>
      %get3A_15 = arith.constant 0 : index
      %get3A_16 = arith.constant 0 : index
      %get3A_17 = vector.load %arg3[%get3A_15, %get3A_16] : memref<512x128xf32, #tpu.memory_space<vmem>>, vector<512x128xf32>
      %convert_element_type3A_18 = arith.truncf %get3A_14 : vector<512x512xf32> to vector<512x512xbf16>
      %convert_element_type3A_19 = arith.truncf %get3A_17 : vector<512x128xf32> to vector<512x128xbf16>
      %dot_general3A = arith.constant dense<0.000000e+00> : vector<512x128xf32>
      %dot_general3A_20 = tpu.matmul %convert_element_type3A_18, %convert_element_type3A_19, %dot_general3A {dimension_numbers = #tpu.dot_dimension_numbers<[1], [0], [0], [1], [0, 0, 1, 1], [], []>, transpose_lhs_hint = false} : vector<512x512xbf16>, vector<512x128xbf16>, vector<512x128xf32> -> vector<512x128xf32>
      %get3A_21 = arith.constant 0 : index
      %get3A_22 = arith.constant 0 : index
      %get3A_23 = vector.load %arg4[%get3A_21, %get3A_22] : memref<1x128xf32, #tpu.memory_space<vmem>>, vector<1x128xf32>
      %add3A = vector.broadcast %get3A_23 : vector<1x128xf32> to vector<512x128xf32>
      %add3A_24 = arith.addf %dot_general3A_20, %add3A : vector<512x128xf32>
      %swap3A = arith.index_cast %mul3A_0 : i32 to index
      %swap3A_25 = arith.constant 0 : index
      %swap3A_26 = vector.load %arg17[%swap3A, %swap3A_25] : memref<16384x128xf32, #tpu.memory_space<vmem>>, vector<512x128xf32>
      tpu.vector_store %arg17[%swap3A, %swap3A_25], %add3A_24 {strides = array<i32>} : memref<16384x128xf32, #tpu.memory_space<vmem>>, vector<512x128xf32>,
      %reduce_sum3A = arith.constant dense<0.000000e+00> : vector<128xf32>
      %reduce_sum3A_27 = vector.multi_reduction <add>, %add3A_24, %reduce_sum3A [0] : vector<512x128xf32> to vector<128xf32>
      %broadcast_in_dim3A = vector.shape_cast %reduce_sum3A_27 : vector<128xf32> to vector<1x128xf32>
      %eq3A_28 = arith.constant 0 : i32
      %eq3A_29 = arith.cmpi eq, %arg1, %eq3A_28 : i32
      %convert_element_type3A_30 = arith.extui %eq3A_29 : i1 to i32
      %cond3A_31 = arith.constant 0 : i32
      %cond3A_32 = arith.cmpi ne, %convert_element_type3A_30, %cond3A_31 : i32
      scf.if %cond3A_32 {
        %swap3A_37 = arith.constant 0 : index
        %swap3A_38 = arith.constant 0 : index
        %swap3A_39 = vector.load %arg18[%swap3A_37, %swap3A_38] : memref<1x128xf32, #tpu.memory_space<vmem>>, vector<1x128xf32>
        tpu.vector_store %arg18[%swap3A_37, %swap3A_38], %broadcast_in_dim3A {strides = array<i32>} : memref<1x128xf32, #tpu.memory_space<vmem>>, vector<1x128xf32>,
        %get3A_40 = arith.constant 0 : index
        %get3A_41 = arith.constant 0 : index
        %get3A_42 = vector.load %arg11[%get3A_40, %get3A_41] : memref<1024x32xf32, #tpu.memory_space<vmem>>, vector<1024x32xf32>
        %get3A_43 = arith.constant 0 : index
        %get3A_44 = arith.constant 0 : index
        %get3A_45 = vector.load %arg9[%get3A_43, %get3A_44] : memref<32x128xf32, #tpu.memory_space<vmem>>, vector<32x128xf32>
        %convert_element_type3A_46 = arith.truncf %get3A_42 : vector<1024x32xf32> to vector<1024x32xbf16>
        %convert_element_type3A_47 = arith.truncf %get3A_45 : vector<32x128xf32> to vector<32x128xbf16>
        %dot_general3A_48 = arith.constant dense<0.000000e+00> : vector<1024x128xf32>
        %dot_general3A_49 = tpu.matmul %convert_element_type3A_46, %convert_element_type3A_47, %dot_general3A_48 {dimension_numbers = #tpu.dot_dimension_numbers<[1], [0], [0], [1], [0, 0, 1, 1], [], []>, transpose_lhs_hint = false} : vector<1024x32xbf16>, vector<32x128xbf16>, vector<1024x128xf32> -> vector<1024x128xf32>
        %get3A_50 = arith.constant 0 : index
        %get3A_51 = arith.constant 0 : index
        %get3A_52 = vector.load %arg10[%get3A_50, %get3A_51] : memref<1x128xf32, #tpu.memory_space<vmem>>, vector<1x128xf32>
        %add3A_53 = vector.broadcast %get3A_52 : vector<1x128xf32> to vector<1024x128xf32>
        %add3A_54 = arith.addf %dot_general3A_49, %add3A_53 : vector<1024x128xf32>
        %swap3A_55 = arith.constant 0 : index
        %swap3A_56 = arith.constant 0 : index
        %swap3A_57 = vector.load %arg16[%swap3A_55, %swap3A_56] : memref<1024x128xf32, #tpu.memory_space<vmem>>, vector<1024x128xf32>
        tpu.vector_store %arg16[%swap3A_55, %swap3A_56], %add3A_54 {strides = array<i32>} : memref<1024x128xf32, #tpu.memory_space<vmem>>, vector<1024x128xf32>,
      } else {
      }
      %ne3A = arith.constant 0 : i32
      %ne3A_33 = arith.cmpi ne, %arg1, %ne3A : i32
      %convert_element_type3A_34 = arith.extui %ne3A_33 : i1 to i32
      %cond3A_35 = arith.constant 0 : i32
      %cond3A_36 = arith.cmpi ne, %convert_element_type3A_34, %cond3A_35 : i32
      scf.if %cond3A_36 {
        %get3A_37 = arith.constant 0 : index
        %get3A_38 = arith.constant 0 : index
        %get3A_39 = vector.load %arg18[%get3A_37, %get3A_38] : memref<1x128xf32, #tpu.memory_space<vmem>>, vector<1x128xf32>
        %add3A_40 = arith.addf %get3A_39, %broadcast_in_dim3A : vector<1x128xf32>
        %swap3A_41 = arith.constant 0 : index
        %swap3A_42 = arith.constant 0 : index
        %swap3A_43 = vector.load %arg18[%swap3A_41, %swap3A_42] : memref<1x128xf32, #tpu.memory_space<vmem>>, vector<1x128xf32>
        tpu.vector_store %arg18[%swap3A_41, %swap3A_42], %add3A_40 {strides = array<i32>} : memref<1x128xf32, #tpu.memory_space<vmem>>, vector<1x128xf32>,
      } else {
      }
    } else {
    }
    %eq3A_3 = arith.constant 1 : i32
    %eq3A_4 = arith.cmpi eq, %arg0, %eq3A_3 : i32
    %convert_element_type3A_5 = arith.extui %eq3A_4 : i1 to i32
    %cond3A_6 = arith.constant 0 : i32
    %cond3A_7 = arith.cmpi ne, %convert_element_type3A_5, %cond3A_6 : i32
    scf.if %cond3A_7 {
      %get3A = arith.constant 0 : index
      %get3A_13 = arith.constant 0 : index
      %get3A_14 = vector.load %arg18[%get3A, %get3A_13] : memref<1x128xf32, #tpu.memory_space<vmem>>, vector<1x128xf32>
      %mul3A_15 = arith.constant 6.10351563E-5 : f32
      %mul3A_16 = vector.broadcast %mul3A_15 : f32 to vector<1x128xf32>
      %mul3A_17 = arith.mulf %get3A_14, %mul3A_16 : vector<1x128xf32>
      %get3A_18 = arith.index_cast %mul3A_0 : i32 to index
      %get3A_19 = arith.constant 0 : index
      %get3A_20 = vector.load %arg17[%get3A_18, %get3A_19] : memref<16384x128xf32, #tpu.memory_space<vmem>>, vector<512x128xf32>
      %sub3A = vector.broadcast %mul3A_17 : vector<1x128xf32> to vector<512x128xf32>
      %sub3A_21 = arith.subf %get3A_20, %sub3A : vector<512x128xf32>
      %mul3A_22 = arith.mulf %sub3A_21, %sub3A_21 : vector<512x128xf32>
      %reduce_sum3A = arith.constant dense<0.000000e+00> : vector<128xf32>
      %reduce_sum3A_23 = vector.multi_reduction <add>, %mul3A_22, %reduce_sum3A [0] : vector<512x128xf32> to vector<128xf32>
      %broadcast_in_dim3A = vector.shape_cast %reduce_sum3A_23 : vector<128xf32> to vector<1x128xf32>
      %eq3A_24 = arith.constant 0 : i32
      %eq3A_25 = arith.cmpi eq, %arg1, %eq3A_24 : i32
      %convert_element_type3A_26 = arith.extui %eq3A_25 : i1 to i32
      %cond3A_27 = arith.constant 0 : i32
      %cond3A_28 = arith.cmpi ne, %convert_element_type3A_26, %cond3A_27 : i32
      scf.if %cond3A_28 {
        %swap3A = arith.constant 0 : index
        %swap3A_33 = arith.constant 0 : index
        %swap3A_34 = vector.load %arg19[%swap3A, %swap3A_33] : memref<1x128xf32, #tpu.memory_space<vmem>>, vector<1x128xf32>
        tpu.vector_store %arg19[%swap3A, %swap3A_33], %broadcast_in_dim3A {strides = array<i32>} : memref<1x128xf32, #tpu.memory_space<vmem>>, vector<1x128xf32>,
      } else {
      }
      %ne3A = arith.constant 0 : i32
      %ne3A_29 = arith.cmpi ne, %arg1, %ne3A : i32
      %convert_element_type3A_30 = arith.extui %ne3A_29 : i1 to i32
      %cond3A_31 = arith.constant 0 : i32
      %cond3A_32 = arith.cmpi ne, %convert_element_type3A_30, %cond3A_31 : i32
      scf.if %cond3A_32 {
        %get3A_33 = arith.constant 0 : index
        %get3A_34 = arith.constant 0 : index
        %get3A_35 = vector.load %arg19[%get3A_33, %get3A_34] : memref<1x128xf32, #tpu.memory_space<vmem>>, vector<1x128xf32>
        %add3A = arith.addf %get3A_35, %broadcast_in_dim3A : vector<1x128xf32>
        %swap3A = arith.constant 0 : index
        %swap3A_36 = arith.constant 0 : index
        %swap3A_37 = vector.load %arg19[%swap3A, %swap3A_36] : memref<1x128xf32, #tpu.memory_space<vmem>>, vector<1x128xf32>
        tpu.vector_store %arg19[%swap3A, %swap3A_36], %add3A {strides = array<i32>} : memref<1x128xf32, #tpu.memory_space<vmem>>, vector<1x128xf32>,
      } else {
      }
    } else {
    }
    %eq3A_8 = arith.constant 2 : i32
    %eq3A_9 = arith.cmpi eq, %arg0, %eq3A_8 : i32
    %convert_element_type3A_10 = arith.extui %eq3A_9 : i1 to i32
    %cond3A_11 = arith.constant 0 : i32
    %cond3A_12 = arith.cmpi ne, %convert_element_type3A_10, %cond3A_11 : i32
    scf.if %cond3A_12 {
      %get3A = arith.constant 0 : index
      %get3A_13 = arith.constant 0 : index
      %get3A_14 = vector.load %arg18[%get3A, %get3A_13] : memref<1x128xf32, #tpu.memory_space<vmem>>, vector<1x128xf32>
      %mul3A_15 = arith.constant 6.10351563E-5 : f32
      %mul3A_16 = vector.broadcast %mul3A_15 : f32 to vector<1x128xf32>
      %mul3A_17 = arith.mulf %get3A_14, %mul3A_16 : vector<1x128xf32>
      %get3A_18 = arith.constant 0 : index
      %get3A_19 = arith.constant 0 : index
      %get3A_20 = vector.load %arg19[%get3A_18, %get3A_19] : memref<1x128xf32, #tpu.memory_space<vmem>>, vector<1x128xf32>
      %mul3A_21 = arith.constant 6.10351563E-5 : f32
      %mul3A_22 = vector.broadcast %mul3A_21 : f32 to vector<1x128xf32>
      %mul3A_23 = arith.mulf %get3A_20, %mul3A_22 : vector<1x128xf32>
      %add3A = arith.constant 9.99999974E-6 : f32
      %add3A_24 = vector.broadcast %add3A : f32 to vector<1x128xf32>
      %add3A_25 = arith.addf %mul3A_23, %add3A_24 : vector<1x128xf32>
      %sqrt3A = math.sqrt %add3A_25 : vector<1x128xf32>
      %get3A_26 = arith.index_cast %mul3A_0 : i32 to index
      %get3A_27 = arith.constant 0 : index
      %get3A_28 = vector.load %arg17[%get3A_26, %get3A_27] : memref<16384x128xf32, #tpu.memory_space<vmem>>, vector<512x128xf32>
      %sub3A = vector.broadcast %mul3A_17 : vector<1x128xf32> to vector<512x128xf32>
      %sub3A_29 = arith.subf %get3A_28, %sub3A : vector<512x128xf32>
      %div3A = vector.broadcast %sqrt3A : vector<1x128xf32> to vector<512x128xf32>
      %div3A_30 = arith.divf %sub3A_29, %div3A : vector<512x128xf32>
      %get3A_31 = arith.constant 0 : index
      %get3A_32 = arith.constant 0 : index
      %get3A_33 = vector.load %arg5[%get3A_31, %get3A_32] : memref<1x128xf32, #tpu.memory_space<vmem>>, vector<1x128xf32>
      %mul3A_34 = vector.broadcast %get3A_33 : vector<1x128xf32> to vector<512x128xf32>
      %mul3A_35 = arith.mulf %div3A_30, %mul3A_34 : vector<512x128xf32>
      %get3A_36 = arith.constant 0 : index
      %get3A_37 = arith.constant 0 : index
      %get3A_38 = vector.load %arg6[%get3A_36, %get3A_37] : memref<1x128xf32, #tpu.memory_space<vmem>>, vector<1x128xf32>
      %add3A_39 = vector.broadcast %get3A_38 : vector<1x128xf32> to vector<512x128xf32>
      %add3A_40 = arith.addf %mul3A_35, %add3A_39 : vector<512x128xf32>
      %max3A = arith.constant 0.000000e+00 : f32
      %max3A_41 = vector.broadcast %max3A : f32 to vector<512x128xf32>
      %max3A_42 = arith.maximumf %add3A_40, %max3A_41 : vector<512x128xf32>
      %get3A_43 = arith.constant 0 : index
      %get3A_44 = arith.constant 0 : index
      %get3A_45 = vector.load %arg7[%get3A_43, %get3A_44] : memref<128x32xf32, #tpu.memory_space<vmem>>, vector<128x32xf32>
      %convert_element_type3A_46 = arith.truncf %max3A_42 : vector<512x128xf32> to vector<512x128xbf16>
      %convert_element_type3A_47 = arith.truncf %get3A_45 : vector<128x32xf32> to vector<128x32xbf16>
      %dot_general3A = arith.constant dense<0.000000e+00> : vector<512x32xf32>
      %dot_general3A_48 = tpu.matmul %convert_element_type3A_46, %convert_element_type3A_47, %dot_general3A {dimension_numbers = #tpu.dot_dimension_numbers<[1], [0], [0], [1], [0, 0, 1, 1], [], []>, transpose_lhs_hint = false} : vector<512x128xbf16>, vector<128x32xbf16>, vector<512x32xf32> -> vector<512x32xf32>
      %get3A_49 = arith.constant 0 : index
      %get3A_50 = arith.constant 0 : index
      %get3A_51 = vector.load %arg8[%get3A_49, %get3A_50] : memref<1x32xf32, #tpu.memory_space<vmem>>, vector<1x32xf32>
      %add3A_52 = vector.broadcast %get3A_51 : vector<1x32xf32> to vector<512x32xf32>
      %add3A_53 = arith.addf %dot_general3A_48, %add3A_52 : vector<512x32xf32>
      %mul3A_54 = arith.mulf %add3A_53, %add3A_53 : vector<512x32xf32>
      %reduce_sum3A = arith.constant dense<0.000000e+00> : vector<512xf32>
      %reduce_sum3A_55 = vector.multi_reduction <add>, %mul3A_54, %reduce_sum3A [1] : vector<512x32xf32> to vector<512xf32>
      %broadcast_in_dim3A = vector.shape_cast %reduce_sum3A_55 : vector<512xf32> to vector<512x1xf32>
      %get3A_56 = arith.constant 0 : index
      %get3A_57 = arith.constant 0 : index
      %get3A_58 = vector.load %arg12[%get3A_56, %get3A_57] : memref<32x1024xf32, #tpu.memory_space<vmem>>, vector<32x1024xf32>
      %convert_element_type3A_59 = arith.truncf %add3A_53 : vector<512x32xf32> to vector<512x32xbf16>
      %convert_element_type3A_60 = arith.truncf %get3A_58 : vector<32x1024xf32> to vector<32x1024xbf16>
      %dot_general3A_61 = arith.constant dense<0.000000e+00> : vector<512x1024xf32>
      %dot_general3A_62 = tpu.matmul %convert_element_type3A_59, %convert_element_type3A_60, %dot_general3A_61 {dimension_numbers = #tpu.dot_dimension_numbers<[1], [0], [0], [1], [0, 0, 1, 1], [], []>, transpose_lhs_hint = false} : vector<512x32xbf16>, vector<32x1024xbf16>, vector<512x1024xf32> -> vector<512x1024xf32>
      %mul3A_63 = arith.constant 2.000000e+00 : f32
      %mul3A_64 = vector.broadcast %mul3A_63 : f32 to vector<512x1024xf32>
      %mul3A_65 = arith.mulf %mul3A_64, %dot_general3A_62 : vector<512x1024xf32>
      %sub3A_66 = vector.broadcast %broadcast_in_dim3A : vector<512x1xf32> to vector<512x1024xf32>
      %sub3A_67 = arith.subf %sub3A_66, %mul3A_65 : vector<512x1024xf32>
      %get3A_68 = arith.constant 0 : index
      %get3A_69 = arith.constant 0 : index
      %get3A_70 = vector.load %arg13[%get3A_68, %get3A_69] : memref<1x1024xf32, #tpu.memory_space<vmem>>, vector<1x1024xf32>
      %add3A_71 = vector.broadcast %get3A_70 : vector<1x1024xf32> to vector<512x1024xf32>
      %add3A_72 = arith.addf %sub3A_67, %add3A_71 : vector<512x1024xf32>
      %reduce_min3A = arith.constant dense<0x7F800000> : vector<512xf32>
      %reduce_min3A_73 = vector.multi_reduction <minimumf>, %add3A_72, %reduce_min3A [1] : vector<512x1024xf32> to vector<512xf32>
      %broadcast_in_dim3A_74 = vector.shape_cast %reduce_min3A_73 : vector<512xf32> to vector<512x1xf32>
      %iota3A = tpu.iota {dimensions = array<i32: 1>} : vector<512x1024xi32>
      %eq3A_75 = vector.broadcast %broadcast_in_dim3A_74 : vector<512x1xf32> to vector<512x1024xf32>
      %eq3A_76 = arith.cmpf oeq, %add3A_72, %eq3A_75 : vector<512x1024xf32>
      %jit3A = arith.constant 1024 : i32
      %broadcast_in_dim3A_77 = vector.broadcast %jit3A : i32 to vector<512x1024xi32>
      %select_n3A = arith.select %eq3A_76, %iota3A, %broadcast_in_dim3A_77 : vector<512x1024xi1>, vector<512x1024xi32>
      %reduce_min3A_78 = arith.constant dense<2147483647> : vector<512xi32>
      %reduce_min3A_79 = vector.multi_reduction <minsi>, %select_n3A, %reduce_min3A_78 [1] : vector<512x1024xi32> to vector<512xi32>
      %broadcast_in_dim3A_80 = vector.shape_cast %reduce_min3A_79 : vector<512xi32> to vector<512x1xi32>
      %swap3A = arith.index_cast %mul3A_0 : i32 to index
      %swap3A_81 = arith.constant 0 : index
      %swap3A_82 = vector.load %arg14[%swap3A, %swap3A_81] : memref<16384x1xi32, #tpu.memory_space<vmem>>, vector<512x1xi32>
      tpu.vector_store %arg14[%swap3A, %swap3A_81], %broadcast_in_dim3A_80 {strides = array<i32>} : memref<16384x1xi32, #tpu.memory_space<vmem>>, vector<512x1xi32>,
      %reduce_sum3A_83 = arith.constant dense<0.000000e+00> : vector<1xf32>
      %reduce_sum3A_84 = vector.multi_reduction <add>, %broadcast_in_dim3A_74, %reduce_sum3A_83 [0] : vector<512x1xf32> to vector<1xf32>
      %broadcast_in_dim3A_85 = vector.shape_cast %reduce_sum3A_84 : vector<1xf32> to vector<1x1xf32>
      %eq3A_86 = arith.constant 0 : i32
      %eq3A_87 = arith.cmpi eq, %arg1, %eq3A_86 : i32
      %convert_element_type3A_88 = arith.extui %eq3A_87 : i1 to i32
      %cond3A_89 = arith.constant 0 : i32
      %cond3A_90 = arith.cmpi ne, %convert_element_type3A_88, %cond3A_89 : i32
      scf.if %cond3A_90 {
        %swap3A_95 = arith.constant 0 : index
        %swap3A_96 = arith.constant 0 : index
        %swap3A_97 = vector.load %arg15[%swap3A_95, %swap3A_96] : memref<1x1xf32, #tpu.memory_space<vmem>>, vector<1x1xf32>
        tpu.vector_store %arg15[%swap3A_95, %swap3A_96], %broadcast_in_dim3A_85 {strides = array<i32>} : memref<1x1xf32, #tpu.memory_space<vmem>>, vector<1x1xf32>,
      } else {
      }
      %ne3A = arith.constant 0 : i32
      %ne3A_91 = arith.cmpi ne, %arg1, %ne3A : i32
      %convert_element_type3A_92 = arith.extui %ne3A_91 : i1 to i32
      %cond3A_93 = arith.constant 0 : i32
      %cond3A_94 = arith.cmpi ne, %convert_element_type3A_92, %cond3A_93 : i32
      scf.if %cond3A_94 {
        %get3A_95 = arith.constant 0 : index
        %get3A_96 = arith.constant 0 : index
        %get3A_97 = vector.load %arg15[%get3A_95, %get3A_96] : memref<1x1xf32, #tpu.memory_space<vmem>>, vector<1x1xf32>
        %add3A_98 = arith.addf %get3A_97, %broadcast_in_dim3A_85 : vector<1x1xf32>
        %swap3A_99 = arith.constant 0 : index
        %swap3A_100 = arith.constant 0 : index
        %swap3A_101 = vector.load %arg15[%swap3A_99, %swap3A_100] : memref<1x1xf32, #tpu.memory_space<vmem>>, vector<1x1xf32>
        tpu.vector_store %arg15[%swap3A_99, %swap3A_100], %add3A_98 {strides = array<i32>} : memref<1x1xf32, #tpu.memory_space<vmem>>, vector<1x1xf32>,
      } else {
      }
    } else {
    }
    return
  }
  func.func @transform_0(%arg0: i32, %arg1: i32) -> (i32, i32) {
    %eq3A = arith.constant 0 : i32
    %eq3A_0 = arith.cmpi eq, %arg0, %eq3A : i32
    %select_n3A = arith.constant 0 : i32
    %select_n3A_1 = arith.select %eq3A_0, %arg1, %select_n3A : i32
    %c0_i32 = arith.constant 0 : i32
    %c0_i32_2 = arith.constant 0 : i32
    return %select_n3A_1, %c0_i32 : i32, i32
  }
  func.func @transform_1(%arg0: i32, %arg1: i32) -> (i32, i32) {
    %c0_i32 = arith.constant 0 : i32
    %c0_i32_0 = arith.constant 0 : i32
    %c0_i32_1 = arith.constant 0 : i32
    return %c0_i32, %c0_i32_0 : i32, i32
  }
  func.func @transform_2(%arg0: i32, %arg1: i32) -> (i32, i32) {
    %c0_i32 = arith.constant 0 : i32
    %c0_i32_0 = arith.constant 0 : i32
    %c0_i32_1 = arith.constant 0 : i32
    return %c0_i32, %c0_i32_0 : i32, i32
  }
  func.func @transform_3(%arg0: i32, %arg1: i32) -> (i32, i32) {
    %c0_i32 = arith.constant 0 : i32
    %c0_i32_0 = arith.constant 0 : i32
    %c0_i32_1 = arith.constant 0 : i32
    return %c0_i32, %c0_i32_0 : i32, i32
  }
  func.func @transform_4(%arg0: i32, %arg1: i32) -> (i32, i32) {
    %c0_i32 = arith.constant 0 : i32
    %c0_i32_0 = arith.constant 0 : i32
    %c0_i32_1 = arith.constant 0 : i32
    return %c0_i32, %c0_i32_0 : i32, i32
  }
  func.func @transform_5(%arg0: i32, %arg1: i32) -> (i32, i32) {
    %c0_i32 = arith.constant 0 : i32
    %c0_i32_0 = arith.constant 0 : i32
    %c0_i32_1 = arith.constant 0 : i32
    return %c0_i32, %c0_i32_0 : i32, i32
  }
  func.func @transform_6(%arg0: i32, %arg1: i32) -> (i32, i32) {
    %c0_i32 = arith.constant 0 : i32
    %c0_i32_0 = arith.constant 0 : i32
    %c0_i32_1 = arith.constant 0 : i32
    return %c0_i32, %c0_i32_0 : i32, i32
  }
  func.func @transform_7(%arg0: i32, %arg1: i32) -> (i32, i32) {
    %c0_i32 = arith.constant 0 : i32
    %c0_i32_0 = arith.constant 0 : i32
    %c0_i32_1 = arith.constant 0 : i32
    return %c0_i32, %c0_i32_0 : i32, i32
  }
  func.func @transform_8(%arg0: i32, %arg1: i32) -> (i32, i32) {
    %c0_i32 = arith.constant 0 : i32
    %c0_i32_0 = arith.constant 0 : i32
    %c0_i32_1 = arith.constant 0 : i32
    return %c0_i32, %c0_i32_0 : i32, i32
  }
  func.func @transform_9(%arg0: i32, %arg1: i32) -> (i32, i32) {
    %c0_i32 = arith.constant 0 : i32
    %c0_i32_0 = arith.constant 0 : i32
    %c0_i32_1 = arith.constant 0 : i32
    return %c0_i32, %c0_i32_0 : i32, i32
  }
  func.func @transform_10(%arg0: i32, %arg1: i32) -> (i32, i32) {
    %c0_i32 = arith.constant 0 : i32
    %c0_i32_0 = arith.constant 0 : i32
    %c0_i32_1 = arith.constant 0 : i32
    return %c0_i32, %c0_i32_0 : i32, i32
  }
  func.func @transform_11(%arg0: i32, %arg1: i32) -> (i32, i32) {
    %c0_i32 = arith.constant 0 : i32
    %c0_i32_0 = arith.constant 0 : i32
    %c0_i32_1 = arith.constant 0 : i32
    return %c0_i32, %c0_i32_0 : i32, i32
  }
  func.func @transform_12(%arg0: i32, %arg1: i32) -> (i32, i32) {
    %c0_i32 = arith.constant 0 : i32
    %c0_i32_0 = arith.constant 0 : i32
    %c0_i32_1 = arith.constant 0 : i32
    return %c0_i32, %c0_i32_0 : i32, i32
  }
  func.func @transform_13(%arg0: i32, %arg1: i32) -> (i32, i32) {
    %c0_i32 = arith.constant 0 : i32
    %c0_i32_0 = arith.constant 0 : i32
    %c0_i32_1 = arith.constant 0 : i32
    return %c0_i32, %c0_i32_0 : i32, i32
  }
  func.func @transform_14(%arg0: i32, %arg1: i32) -> (i32, i32) {
    %c0_i32 = arith.constant 0 : i32
    %c0_i32_0 = arith.constant 0 : i32
    %c0_i32_1 = arith.constant 0 : i32
    return %c0_i32, %c0_i32_0 : i32, i32
  }
}

</mosaic_0001>

<sc_bundles>
// kernel: kernel.5.cloned.1.call-start
scs
__scs_entry_jumppad:
0x0: {  	(pc) =	sbr.rel $0x88, $3  }
0x1: {  	(tag) =	ssettag $0x0;
	lr =	simm.s32 $0x1  }
0x2: {  	[smem:$0x3F93] =	sst lr;
	_ =	strace $0xD0000000  }
0x3: {  	_ = 	snop  }
0x4: {  	_ = 	snop  }
0x5: {  	_ = 	snop  }
0x6: {  	_ = 	snop  }
0x7: {  	_ = 	snop  }
__scs_overlays_trampoline_lowered:
0x8: {  	[smem:$0x3FA2] =	sst s0  }
0x9: {  	[smem:$0x3FA3] =	sst s1  }
0xa: {  	[smem:$0x3FA4] =	sst s2  }
0xb: {  	[smem:$0x3FA5] =	sst s3  }
0xc: {  	[smem:$0x3FA6] =	sst s4  }
0xd: {  	[smem:$0x3FA7] =	sst s5  }
0xe: {  	[smem:$0x3FA8] =	sst s6  }
0xf: {  	[smem:$0x3FA9] =	sst s7  }
0x10: {  	[smem:$0x3FAA] =	sst s8  }
0x11: {  	[smem:$0x3FAB] =	sst s9;
	s0 =	simm.s32 @!p0 $0x0  }
0x12: {  	s1 =	sld [smem:$0x3F91];
	s0 =	simm.s32 @p0 $0x1  }
0x13: {  	[smem:$0x3FAC] =	sst s0;
	s0 =	simm.s32 @!p1 $0x0  }
0x14: {  	s2 =	sld [smem:$0x3F90];
	s0 =	simm.s32 @p1 $0x1  }
0x15: {  	[smem:$0x3FAD] =	sst s0;
	s0 =	simm.s32 @!p2 $0x0  }
0x16: {  	s3 =	sld [smem:$0x3FDB];
	s0 =	simm.s32 @p2 $0x1  }
0x17: {  	s4 =	simm.s32 $0x1BF5;
	[smem:$0x3FAF] =	sst s0  }
0x18: {  	s0 =	sld [smem:$0x3F92];
	_ =	swait.ge [sflag:s4], $0x0  }
0x19: {  	s7 =	sld [smem:$0x3F93]  }
0x1a: {  	s8 =	sadd.s32 $0xFFFFE003, lr  }
0x1b: {  	s9 =	sadd.s32 $0xFFFFFEF7, lr;
	s5 =	simm.s32 $0xFFFFFFFF;
	p2 =	slt.u32 s8, $0xFFFFF086  }
0x1c: {  	p1 =	slt.u32 s9, $0xF7A;
	s5 =	simm.s32 @!p2 $0x0  }
0x1d: {  	s5 =	simm.s32 @p1 $0x1;
	p0 =	seq.s32 s7, s2  }
0x1e: {  	s7 =	smul.u32 @!p0 $0xF7A, s2;
	p2 =	seq.s32 @!p0 s5, $0x0  }
0x1f: {  	s9 =	smul.u32 $0xF7A, s1;
	s8 =	simm.s32 @!p0 $0x1BF5;
	p2 =	por !p2, p0  }
0x20: {  	[sflag:s8] =	ssyncset.s32 @!p0 $0xFFFFF086;
	s6 =	sadd.s32 @!p0 s3, s7;
	s7 =	simm.s32 @!p0 $0x108  }
0x21: {  	s3 =	sadd.s32 s3, s9;
	s6 =	sadd.s32 @!p0 $0x88, s6;
	s7 =	simm.s32 @p2 $0x1082  }
0x22: {  	[simem:s7], [sflag:s8] =	dma.local @!p0 [hbm:s6], $0xF7A  }
0x23: {  	s9 =	sor.u32 $0xD0000000, s2;
	s6 =	simm.s32 $0x108;
	_ =	swait.ge @!p0 [sflag:s8], $0x0  }
0x24: {  	s3 =	sadd.s32 $0x88, s3;
	s6 =	simm.s32 @!p1 $0x1082;
	[sflag:s4] =	ssyncset.s32 $0xFFFFF086  }
0x25: {  	[simem:s6], [sflag:s4] =	dma.local [hbm:s3], $0xF7A  }
0x26: {  	[smem:$0x3F93] =	sst s1;
	(tag) =	ssettag s2;
	_ =	strace s9  }
0x27: {  	s1 =	sld [smem:$0x3FA3]  }
0x28: {  	s2 =	sld [smem:$0x3FA4]  }
0x29: {  	s4 =	sld [smem:$0x3FA6]  }
0x2a: {  	p0 =	seq.s32 s5, $0x0;
	s5 =	sld [smem:$0x3FA7]  }
0x2b: {  	s6 =	sld [smem:$0x3FA8]  }
0x2c: {  	s7 =	sld [smem:$0x3FA9]  }
0x2d: {  	s3 =	simm.s32 $0x108;
	s8 =	sld [smem:$0x3FAA]  }
0x2e: {  	s3 =	simm.s32 @!p0 $0x1082;
	s9 =	sld [smem:$0x3FAB]  }
0x2f: {  	lr =	sadd.s32 s0, s3;
	s0 =	sld [smem:$0x3FA2]  }
0x30: {  	s3 =	sld [smem:$0x3FA5]  }
0x31: {  	[smem:$0x3FAE] =	sst s10  }
0x32: {  	s10 =	sld [smem:$0x3FAC];
	_ =	sdelay $0x3  }
0x33: {  	p0 =	seq.s32 s10, $0x1;
	s10 =	sld [smem:$0x3FAE];
	_ =	sdelay $0x3  }
0x34: {  	[smem:$0x3FAE] =	sst s10  }
0x35: {  	s10 =	sld [smem:$0x3FAD];
	_ =	sdelay $0x3  }
0x36: {  	p1 =	seq.s32 s10, $0x1;
	s10 =	sld [smem:$0x3FAE];
	_ =	sdelay $0x3  }
0x37: {  	[smem:$0x3FAE] =	sst s10  }
0x38: {  	s10 =	sld [smem:$0x3FAF]  }
0x39: {  	_ = 	snop;
	(pc) =	sbr.ind lr, $3  }
0x3a: {  	_ = 	snop  }
0x3b: {  	_ = 	snop  }
0x3c: {  	p2 =	seq.s32 s10, $0x1;
	s10 =	sld [smem:$0x3FAE]  }
0x3d: {  	_ =	shalt  }
0x3e: {  	_ =	shalt  }
0x3f: {  	_ =	shalt  }
0x40: {  	_ =	shalt  }
0x41: {  	_ =	shalt  }
0x42: {  	_ =	shalt  }
0x43: {  	_ =	shalt  }
0x44: {  	_ =	shalt  }
0x45: {  	_ =	shalt  }
0x46: {  	_ =	shalt  }
0x47: {  	_ =	shalt  }
0x48: {  	_ =	shalt  }
0x49: {  	_ =	shalt  }
0x4a: {  	_ =	shalt  }
0x4b: {  	_ =	shalt  }
0x4c: {  	_ =	shalt  }
0x4d: {  	_ =	shalt  }
0x4e: {  	_ =	shalt  }
0x4f: {  	_ =	shalt  }
0x50: {  	_ =	shalt  }
0x51: {  	_ =	shalt  }
0x52: {  	_ =	shalt  }
0x53: {  	_ =	shalt  }
0x54: {  	_ =	shalt  }
0x55: {  	_ =	shalt  }
0x56: {  	_ =	shalt  }
0x57: {  	_ =	shalt  }
0x58: {  	_ =	shalt  }
0x59: {  	_ =	shalt  }
0x5a: {  	_ =	shalt  }
0x5b: {  	_ =	shalt  }
0x5c: {  	_ =	shalt  }
0x5d: {  	_ =	shalt  }
0x5e: {  	_ =	shalt  }
0x5f: {  	_ =	shalt  }
0x60: {  	_ =	shalt  }
0x61: {  	_ =	shalt  }
0x62: {  	_ =	shalt  }
0x63: {  	_ =	shalt  }
0x64: {  	_ =	shalt  }
0x65: {  	_ =	shalt  }
0x66: {  	_ =	shalt  }
0x67: {  	_ =	shalt  }
0x68: {  	_ =	shalt  }
0x69: {  	_ =	shalt  }
0x6a: {  	_ =	shalt  }
0x6b: {  	_ =	shalt  }
0x6c: {  	_ =	shalt  }
0x6d: {  	_ =	shalt  }
0x6e: {  	_ =	shalt  }
0x6f: {  	_ =	shalt  }
0x70: {  	_ =	shalt  }
0x71: {  	_ =	shalt  }
0x72: {  	_ =	shalt  }
0x73: {  	_ =	shalt  }
0x74: {  	_ =	shalt  }
0x75: {  	_ =	shalt  }
0x76: {  	_ =	shalt  }
0x77: {  	_ =	shalt  }
0x78: {  	_ =	shalt  }
0x79: {  	_ =	shalt  }
0x7a: {  	_ =	shalt  }
0x7b: {  	_ =	shalt  }
0x7c: {  	_ =	shalt  }
0x7d: {  	_ =	shalt  }
0x7e: {  	_ =	shalt  }
0x7f: {  	_ =	shalt  }
0x80: {  	_ =	shalt  }
0x81: {  	_ =	shalt  }
0x82: {  	_ =	shalt  }
0x83: {  	_ =	shalt  }
0x84: {  	_ =	shalt  }
0x85: {  	_ =	shalt  }
0x86: {  	_ =	shalt  }
0x87: {  	_ =	shalt  }
.Lfunc_end0:
.L_simem_size_0:
called_computation_lowered:
.L_overlay_start_0:
0x88: {  	s2 =	sld [smem:$0x3FD9]  }
0x89: {  	s3 =	sld [smem:$0x3FFE];
	_ =	sdelay $0x1  }
0x8a: {  	s1 =	srdreg.scid  }
0x8b: {  	s0 =	sand.u32 $0x1, s1  }
0x8c: {  	s14 =	sshll.u32 s0, $0xA;
	s2 =	sadd.s32 s3, s2  }
0x8d: {  	s2 =	sadd.s32 s2, s14  }
0x8e: {  	[smem:$0x3FBA] =	sst s2  }
0x8f: {  	_ = 	snop  }
0x90: {  	s2 =	sld [smem:$0x3FD0];
	_ =	sdelay $0x2  }
0x91: {  	s15 =	simm.s32 $0xA;
	s4 =	simm.s32 $0x10  }
0x92: {  	[smem:s4], [sflag:s15] =	dma.local [hbm:s2], $0x1  }
0x93: {  	_ =	swait.eq [sflag:s15], $0x1  }
0x94: {  	[sflag:s15] =	ssyncset.done $0x0  }
0x95: {  	[sflag:s15] =	ssyncadd.s32 $0xFFFFFFFF  }
0x96: {  	s16 =	sld [smem:$0x10];
	(tm) =	ssettm $0x1  }
0x97: {  	s17 =	sld [smem:$0x3FFB];
	_ =	sdelay $0x3  }
0x98: {  	_ =	strace s17  }
0x99: {  	s3 =	sld [smem:$0x3FFC];
	_ =	sdelay $0x3  }
0x9a: {  	_ =	strace s3  }
0x9b: {  	s3 =	sld [smem:$0x3FFD];
	_ =	sdelay $0x3  }
0x9c: {  	_ =	strace s3  }
0x9d: {  	_ =	strace $0x8FFFFFFF  }
0x9e: {  	s18 =	sld [smem:$0x3FDB];
	_ =	sdelay $0x1  }
0x9f: {  	s19 =	simm.s32 $_scs_section_size  }
0xa0: {  	s5 =	simm.s32 $_size__tile_overlayer_lowered;
	s6 =	simm.s32 $_tile_overlayer_lowered  }
0xa1: {  	s22 =	simm.s32 $0x1BFF;
	s21 =	sshll.u32 s6, $0x1;
	s3 =	sadd.s32 s19, s18  }
0xa2: {  	s7 =	simm.s32 $0x0;
	s20 =	sshll.u32 s5, $0x1;
	s5 =	sadd.s32 s21, s3  }
0xa3: {  	[timem:s7], [sflag:s22] =	dma.local [hbm:s5], s20  }
0xa4: {  	_ =	swait.ge [sflag:s22], s20  }
0xa5: {  	s4 =	ssub.s32 $0x0, s20;
	[sflag:s22] =	ssyncset.done $0x0  }
0xa6: {  	[sflag:s22] =	ssyncadd.s32 s4;
	_ =	sdelay $0x1  }
0xa7: {  	s23 =	simm.s32 $0x1B8B  }
0xa8: {  	_ =	swait.ge [sflag:s23], $0x1  }
0xa9: {  	[sflag:s23] =	ssyncset.done $0x0  }
0xaa: {  	s25 =	simm.s32 $0x1B8E;
	s24 =	sld [smem:$0x3FFE];
	[sflag:s23] =	ssyncadd.s32 $0xFFFFFFFF  }
0xab: {  	s26 =	simm.s32 $execute0_lowered;
	[smem:$0x3FD2] =	sst s25  }
0xac: {  	s5 =	sshll.u32 s26, $0x1;
	_ =	strace $0x80000046;
	[dreg:$0x1] =	wrdreg $0xFFFFFFFF  }
0xad: {  	s28 =	simm.s32 $_size_execute0_lowered;
	s3 =	sadd.s32 s3, s5;
	[dreg:$0x0] =	wrdreg $0x0  }
0xae: {  	s5 =	sshll.u32 s28, $0x1;
	[dreg:$0x2] =	wrdreg s3  }
0xaf: {  	[dreg:$0x3] =	wrdreg s5  }
0xb0: {  	[dreg:$0x4] =	wrdreg $0xC0  }
0xb1: {  	_ =	task [dreg:s7], $0x5FFFF  }
0xb2: {  	[dreg:$0x1] =	wrdreg $0xFFFFFFFF  }
0xb3: {  	[dreg:$0x0] =	wrdreg $0x60  }
0xb4: {  	[dreg:$0x2] =	wrdreg s24  }
0xb5: {  	[dreg:$0x3] =	wrdreg s16  }
0xb6: {  	[dreg:$0x4] =	wrdreg $0x9  }
0xb7: {  	_ =	task.clear_ibuf [dreg:s7], $0x5FFFF;
	_ =	strace $0x90000046  }
0xb8: {  	s29 =	simm.s32 $0x9;
	_ =	strace $0x80000048  }
0xb9: {  	_ =	swait.ge [sflag:s29], $0x1  }
0xba: {  	[sflag:s29] =	ssyncadd.s32 $0xFFFFFFFF  }
0xbb: {  	_ =	strace $0x90000048  }
0xbc: {  	_ =	sfence  }
0xbd: {  	s30 =	sld [smem:$0x0];
	_ =	sdelay $0x2  }
0xbe: {  	s31 =	sshll.u32 s1, $0xD;
	s1 =	sshrl.u32 s1, $0x2  }
0xbf: {  	s3 =	sand.u32 $0x4000, s31;
	s1 =	sadd.s32 s1, s30  }
0xc0: {  	s0 =	sor.u32 s3, s0;
	s1 =	sshll.u32 s1, $0x11  }
0xc1: {  	s0 =	sor.u32 s1, s0  }
0xc2: {  	s0 =	sadd.s32 $0x8F2B, s0  }
0xc3: {  	[sflag:s0] =	ssyncadd.remote.s32 $0x1  }
0xc4: {  	_ =	sfence.sel $0xFFFF  }
0xc5: {  	[dreg:$0x0] =	wrdreg $0xFFFFFFFF;
	(pc) =	sbr.abs _section_cstart, $3  }
0xc6: {  	[dreg:$0x1] =	wrdreg $0xFFFFFFFF  }
0xc7: {  	_ =	task.clear_ibuf [dreg:s7], $0x2FFFF;
	_ =	strace $0x9FFFFFFF  }
0xc8: {  	(tm) =	ssettm $0x7FFFFFFF  }
0xc9: {  	_ =	shalt  }
tec
execute0_lowered:
.L_overlay_start_1:
0x0: {  	(tag) =	ssettag $0x1  }
0x1: {  	s1 =	srdreg.scid  }
0x2: {  	s17 =	rddreg [dreg:$0x0];
	s0 =	stileid.u32;
	s22 =	sand.u32 $0x1, s1  }
0x3: {  	s9 =	rddreg [dreg:$0x1];
	s3 =	sshll.u32 s0, $0xA;
	s4 =	sshll.u32 s22, $0x9  }
0x4: {  	s2 =	simm.s32 $0x0;
	s1 =	rddreg [dreg:$0x2];
	s18 =	sor.u32 s4, s3  }
0x5: {  	[smem:$0x7FF] =	sst s2;
	s3 =	sshrl.u32 s18, $0x3  }
0x6: {  	_ =	strace $0x80000047;
	s4 =	simm.s32 $0x3;
	s3 =	sadd.s32 s9, s3  }
0x7: {  	[tilespmem:s2], [sflag:$0x3] =	stream.linear.gather [hbm4b:s3+s2], $0x80, $0x38;
	[tilespmem:$0x10200] =	vst v63  }
0x8: {  	s19 =	sor.u32 $0x80, s18;
	_ =	swait.ge [sflag:s4], $0x80  }
0x9: {  	s5 =	sshrl.u32 s19, $0x3;
	[sflag:s4] =	ssyncset.done $0x0  }
0xa: {  	s6 =	simm.s32 $0x80;
	s5 =	sadd.s32 s9, s5;
	[sflag:s4] =	ssyncadd.s32 $0xFFFFFF80  }
0xb: {  	[tilespmem:s6], [sflag:$0x3] =	stream.linear.gather [hbm4b:s5+s2], $0x80, $0x38;
	[tilespmem:$0x10200] =	vst v63  }
0xc: {  	s20 =	sor.u32 $0x100, s18;
	_ =	swait.ge [sflag:s4], $0x80  }
0xd: {  	s7 =	sshrl.u32 s20, $0x3;
	[sflag:s4] =	ssyncset.done $0x0  }
0xe: {  	s8 =	simm.s32 $0x100;
	s7 =	sadd.s32 s9, s7;
	[sflag:s4] =	ssyncadd.s32 $0xFFFFFF80  }
0xf: {  	[tilespmem:s8], [sflag:$0x3] =	stream.linear.gather [hbm4b:s7+s2], $0x80, $0x38;
	[tilespmem:$0x10200] =	vst v63  }
0x10: {  	s21 =	sor.u32 $0x180, s18;
	_ =	swait.ge [sflag:s4], $0x80  }
0x11: {  	s10 =	sshrl.u32 s21, $0x3;
	[sflag:s4] =	ssyncset.done $0x0  }
0x12: {  	s9 =	sadd.s32 s9, s10;
	s10 =	simm.s32 $0x180;
	[sflag:s4] =	ssyncadd.s32 $0xFFFFFF80  }
0x13: {  	[tilespmem:s10], [sflag:$0x3] =	stream.linear.gather [hbm4b:s9+s2], $0x80, $0x38;
	[tilespmem:$0x10200] =	vst v63  }
0x14: {  	_ =	swait.ge [sflag:s4], $0x80  }
0x15: {  	[sflag:s4] =	ssyncset.done $0x0  }
0x16: {  	s12 =	simm.s32 $0x200;
	s11 =	sadd.s32 $0x1A00, s17;
	[sflag:s4] =	ssyncadd.s32 $0xFFFFFF80  }
0x17: {  	[tilespmem:s12], [sflag:$0x1] =	stream.indirect.gather [hbm4b:s11+s6], $0x80, s2, s6, $0xb8;
	[tilespmem:$0x10200] =	vst v63  }
0x18: {  	s13 =	simm.s32 $0x4200  }
0x19: {  	[tilespmem:s13], [sflag:$0x1] =	stream.indirect.gather [hbm4b:s11+s6], $0x80, s6, s6, $0xb8;
	[tilespmem:$0x10200] =	vst v63  }
0x1a: {  	s14 =	simm.s32 $0x8200  }
0x1b: {  	[tilespmem:s14], [sflag:$0x1] =	stream.indirect.gather [hbm4b:s11+s6], $0x80, s8, s6, $0xb8;
	[tilespmem:$0x10200] =	vst v63  }
0x1c: {  	s15 =	simm.s32 $0xC200;
	s16 =	simm.s32 $0x1  }
0x1d: {  	[tilespmem:s15], [sflag:$0x1] =	stream.indirect.gather [hbm4b:s11+s6], $0x80, s10, s6, $0xb8;
	[tilespmem:$0x10200] =	vst v63  }
0x1e: {  	_ =	swait.ge [sflag:s16], $0x4000  }
0x1f: {  	s23 =	sadd.s32 $0x5A00, s17;
	s26 =	sshll.u32 s18, $0x4;
	[sflag:s16] =	ssyncset.done $0x0  }
0x20: {  	s17 =	sadd.s32 s23, s26;
	[sflag:s16] =	ssyncadd.s32 $0xFFFFC000  }
0x21: {  	[hbm4b:s17+s2] =	stream.linear.scatter [tilespmem:s12], [sflag:$0x2], $0x4000, $0x38;
	[tilespmem:$0x10200] =	vst v63  }
0x22: {  	_ =	swait.ge [sflag:s16], $0x4000  }
0x23: {  	s28 =	sshll.u32 s19, $0x4;
	[sflag:s16] =	ssyncset.done $0x0  }
0x24: {  	s18 =	sadd.s32 s23, s28;
	[sflag:s16] =	ssyncadd.s32 $0xFFFFC000  }
0x25: {  	[hbm4b:s18+s2] =	stream.linear.scatter [tilespmem:s13], [sflag:$0x2], $0x4000, $0x38;
	[tilespmem:$0x10200] =	vst v63  }
0x26: {  	_ =	swait.ge [sflag:s16], $0x4000  }
0x27: {  	s29 =	sshll.u32 s20, $0x4;
	[sflag:s16] =	ssyncset.done $0x0  }
0x28: {  	s19 =	sadd.s32 s23, s29;
	[sflag:s16] =	ssyncadd.s32 $0xFFFFC000  }
0x29: {  	[hbm4b:s19+s2] =	stream.linear.scatter [tilespmem:s14], [sflag:$0x2], $0x4000, $0x38;
	[tilespmem:$0x10200] =	vst v63  }
0x2a: {  	_ =	swait.ge [sflag:s16], $0x4000  }
0x2b: {  	s30 =	sshll.u32 s21, $0x4;
	[sflag:s16] =	ssyncset.done $0x0  }
0x2c: {  	s20 =	simm.s32 $0x2;
	s21 =	sadd.s32 s23, s30;
	[sflag:s16] =	ssyncadd.s32 $0xFFFFC000  }
0x2d: {  	[hbm4b:s21+s2] =	stream.linear.scatter [tilespmem:s15], [sflag:$0x2], $0x4000, $0x38;
	[tilespmem:$0x10200] =	vst v63  }
0x2e: {  	_ =	swait.ge [sflag:s20], $0x4000  }
0x2f: {  	s22 =	ssub.s32 $0x2, s22;
	[sflag:s20] =	ssyncset.done $0x0  }
0x30: {  	s31 =	sshrl.u32 s22, $0x1;
	[sflag:s20] =	ssyncadd.s32 $0xFFFFC000  }
0x31: {  	s22 =	ssub.s32 s22, s31;
	_ =	swait.ge [sflag:s20], $0x4000  }
0x32: {  	s22 =	smax.u32 s22, $0x1;
	[sflag:s20] =	ssyncset.done $0x0  }
0x33: {  	p0 =	sne.s32 s22, $0x1;
	[sflag:s20] =	ssyncadd.s32 $0xFFFFC000  }
.Ltmp0:
0x34: {  	_ =	swait.ge [sflag:s20], $0x4000;
	(pc) =	sbr.rel @!p0 .LBB2_2-.Ltmp0, $4  }
0x35: {  	[sflag:s20] =	ssyncset.done $0x0  }
0x36: {  	[sflag:s20] =	ssyncadd.s32 $0xFFFFC000  }
0x37: {  	_ =	swait.ge [sflag:s20], $0x4000  }
0x38: {  	s22 =	sadd.s32 $0xFFFFFFFF, s22;
	[sflag:s20] =	ssyncset.done $0x0  }
.LBB2_1:
0x39: {  	p0 =	sne.s32 s22, $0x1;
	s22 =	sadd.s32 $0xFFFFFFFF, s22;
	[sflag:s20] =	ssyncadd.s32 $0xFFFFC000  }
0x3a: {  	[tilespmem:s2], [sflag:$0x3] =	stream.linear.gather [hbm4b:s3+s2], $0x80, $0x38;
	[tilespmem:$0x10200] =	vst v63  }
0x3b: {  	_ =	swait.ge [sflag:s4], $0x80  }
0x3c: {  	[sflag:s4] =	ssyncset.done $0x0  }
0x3d: {  	[sflag:s4] =	ssyncadd.s32 $0xFFFFFF80  }
0x3e: {  	[tilespmem:s6], [sflag:$0x3] =	stream.linear.gather [hbm4b:s5+s2], $0x80, $0x38;
	[tilespmem:$0x10200] =	vst v63  }
0x3f: {  	_ =	swait.ge [sflag:s4], $0x80  }
0x40: {  	[sflag:s4] =	ssyncset.done $0x0  }
0x41: {  	[sflag:s4] =	ssyncadd.s32 $0xFFFFFF80  }
0x42: {  	[tilespmem:s8], [sflag:$0x3] =	stream.linear.gather [hbm4b:s7+s2], $0x80, $0x38;
	[tilespmem:$0x10200] =	vst v63  }
0x43: {  	_ =	swait.ge [sflag:s4], $0x80  }
0x44: {  	[sflag:s4] =	ssyncset.done $0x0  }
0x45: {  	[sflag:s4] =	ssyncadd.s32 $0xFFFFFF80  }
0x46: {  	[tilespmem:s10], [sflag:$0x3] =	stream.linear.gather [hbm4b:s9+s2], $0x80, $0x38;
	[tilespmem:$0x10200] =	vst v63  }
0x47: {  	_ =	swait.ge [sflag:s4], $0x80  }
0x48: {  	[sflag:s4] =	ssyncset.done $0x0  }
0x49: {  	[sflag:s4] =	ssyncadd.s32 $0xFFFFFF80  }
0x4a: {  	[tilespmem:s12], [sflag:$0x1] =	stream.indirect.gather [hbm4b:s11+s6], $0x80, s2, s6, $0xb8;
	[tilespmem:$0x10200] =	vst v63  }
0x4b: {  	_ = 	snop  }
0x4c: {  	[tilespmem:s13], [sflag:$0x1] =	stream.indirect.gather [hbm4b:s11+s6], $0x80, s6, s6, $0xb8;
	[tilespmem:$0x10200] =	vst v63  }
0x4d: {  	_ = 	snop  }
0x4e: {  	[tilespmem:s14], [sflag:$0x1] =	stream.indirect.gather [hbm4b:s11+s6], $0x80, s8, s6, $0xb8;
	[tilespmem:$0x10200] =	vst v63  }
0x4f: {  	_ = 	snop  }
0x50: {  	[tilespmem:s15], [sflag:$0x1] =	stream.indirect.gather [hbm4b:s11+s6], $0x80, s10, s6, $0xb8;
	[tilespmem:$0x10200] =	vst v63  }
0x51: {  	_ =	swait.ge [sflag:s16], $0x4000  }
0x52: {  	[sflag:s16] =	ssyncset.done $0x0  }
0x53: {  	[sflag:s16] =	ssyncadd.s32 $0xFFFFC000  }
0x54: {  	[hbm4b:s17+s2] =	stream.linear.scatter [tilespmem:s12], [sflag:$0x2], $0x4000, $0x38;
	[tilespmem:$0x10200] =	vst v63  }
0x55: {  	_ =	swait.ge [sflag:s16], $0x4000  }
0x56: {  	[sflag:s16] =	ssyncset.done $0x0  }
0x57: {  	[sflag:s16] =	ssyncadd.s32 $0xFFFFC000  }
0x58: {  	[hbm4b:s18+s2] =	stream.linear.scatter [tilespmem:s13], [sflag:$0x2], $0x4000, $0x38;
	[tilespmem:$0x10200] =	vst v63  }
0x59: {  	_ =	swait.ge [sflag:s16], $0x4000  }
0x5a: {  	[sflag:s16] =	ssyncset.done $0x0  }
0x5b: {  	[sflag:s16] =	ssyncadd.s32 $0xFFFFC000  }
0x5c: {  	[hbm4b:s19+s2] =	stream.linear.scatter [tilespmem:s14], [sflag:$0x2], $0x4000, $0x38;
	[tilespmem:$0x10200] =	vst v63  }
0x5d: {  	_ =	swait.ge [sflag:s16], $0x4000  }
0x5e: {  	[sflag:s16] =	ssyncset.done $0x0  }
0x5f: {  	[sflag:s16] =	ssyncadd.s32 $0xFFFFC000  }
0x60: {  	[hbm4b:s21+s2] =	stream.linear.scatter [tilespmem:s15], [sflag:$0x2], $0x4000, $0x38;
	[tilespmem:$0x10200] =	vst v63  }
0x61: {  	_ =	swait.ge [sflag:s20], $0x4000  }
0x62: {  	[sflag:s20] =	ssyncset.done $0x0  }
0x63: {  	[sflag:s20] =	ssyncadd.s32 $0xFFFFC000  }
0x64: {  	_ =	swait.ge [sflag:s20], $0x4000  }
0x65: {  	[sflag:s20] =	ssyncset.done $0x0  }
0x66: {  	[sflag:s20] =	ssyncadd.s32 $0xFFFFC000  }
.Ltmp1:
0x67: {  	_ =	swait.ge [sflag:s20], $0x4000;
	(pc) =	sbr.rel @p0 .LBB2_1-.Ltmp1, $4  }
0x68: {  	[sflag:s20] =	ssyncset.done $0x0  }
0x69: {  	[sflag:s20] =	ssyncadd.s32 $0xFFFFC000  }
0x6a: {  	_ =	swait.ge [sflag:s20], $0x4000  }
0x6b: {  	[sflag:s20] =	ssyncset.done $0x0  }
.LBB2_2:
0x6c: {  	[sflag:s20] =	ssyncadd.s32 $0xFFFFC000  }
0x6d: {  	_ =	sfence.sel $0x180000  }
0x6e: {  	[bflag:$0x0] =	sbarrier.arrive $0xFFFF  }
0x6f: {  	p0 =	sne.s32 s0, $0x0;
	_ =	strace $0x90000047  }
0x70: {  	s0 =	sadd.s32 @!p0 $0x100000, s1;
	[bflag:$0x2] =	sbarrier.arrive $0xFFFF  }
0x71: {  	[sflag:s0] =	ssyncadd.tile.s32 @!p0 $0x1;
	_ =	shalt  }
.Lfunc_end2:
_tile_overlayer_lowered:
.L_overlay_start_2:
0x72: {  	(tag) =	ssettag $0x2  }
0x73: {  	s0 =	rddreg [dreg:$0x0];
	s2 =	stileid.u32  }
0x74: {  	s1 =	rddreg [dreg:$0x1];
	p0 =	sne.s32 s2, $0x0  }
0x75: {  	s3 =	rddreg [dreg:$0x2];
	[bflag:$0x3] =	sbarrier.arrive $0xFFFF;
	s2 =	simm.s32 @!p0 $0x1C03  }
0x76: {  	[timem:s3], [sflag:s2] =	dma.local @!p0 [hbm:s0], s1  }
0x77: {  	s0 =	simm.s32 @!p0 $0x3  }
0x78: {  	_ =	swait.ge @!p0 [sflag:s0], s1  }
0x79: {  	s1 =	ssub.s32 @!p0 $0x0, s1;
	[sflag:s0] =	ssyncset.done @!p0 $0x0  }
0x7a: {  	[sflag:s0] =	ssyncadd.s32 @!p0 s1  }
0x7b: {  	[bflag:$0x3] =	sbarrier.arrive $0xFFFF  }
0x7c: {  	_ =	shalt  }

</sc_bundles>
